<compile_context>
chip_gen: v7x
topology: tpu7x:2x2x1
jax: 0.10.2.dev20260603
libtpu: 0.0.44.dev20260713+nightly
codegen_flags: <defaults>
</compile_context>

<pallas_src>
import functools

import jax
import jax.numpy as jnp
from jax import lax
from jax.experimental import pallas as pl
from jax.experimental.pallas import tpu as pltpu
from jax.experimental.pallas import tpu_sc as plsc

_NUM_CORES = 2
_NUM_SUBCORES = 16
_NUM_WORKERS = _NUM_CORES * _NUM_SUBCORES

_CHUNK = 16
_NBUF = 4
_NSLAB = 2
_PREF = 2


def _embed_gather(tokens, table):
    bsz, seq = tokens.shape
    num_rows, d_model = table.shape
    n_per_w = (bsz * seq) // _NUM_WORKERS
    w_per_row = seq // n_per_w
    nch = n_per_w // _CHUNK
    mesh = plsc.VectorSubcoreMesh(core_axis_name="c", subcore_axis_name="s")

    @functools.partial(
        pl.kernel,
        out_type=jax.ShapeDtypeStruct((bsz, seq, d_model), table.dtype),
        mesh=mesh,
        scratch_types=[
            pltpu.VMEM((n_per_w,), jnp.int32),
            pltpu.VMEM((_NBUF, _CHUNK, d_model), table.dtype),
            pltpu.VMEM_SHARED(
                (_NUM_SUBCORES, _NSLAB, _CHUNK, d_model), table.dtype
            ),
            pltpu.SemaphoreType.DMA((_NBUF,)),
            pltpu.SemaphoreType.DMA((_NSLAB,)),
            pltpu.SemaphoreType.DMA((_NSLAB,)),
        ],
    )
    def body(idx_hbm, table_hbm, out_hbm, idx_v, rows_v, slab, gsem, xsem, ssem):
        sid = lax.axis_index("s")
        wid = sid * _NUM_CORES + lax.axis_index("c")
        row = wid // w_per_row
        col = (wid % w_per_row) * n_per_w
        pltpu.sync_copy(idx_hbm.at[row, pl.ds(col, n_per_w)], idx_v)

        def gather_start(c, b):
            pltpu.async_copy(
                table_hbm.at[idx_v.at[pl.ds(c * _CHUNK, _CHUNK)]],
                rows_v.at[b],
                gsem.at[b],
            )

        def gather_wait(b):
            pltpu.make_async_copy(
                table_hbm.at[idx_v.at[pl.ds(0, _CHUNK)]],
                rows_v.at[b],
                gsem.at[b],
            ).wait()

        def xfer_start(b, sb):
            pltpu.async_copy(rows_v.at[b], slab.at[sid, sb], xsem.at[sb])

        def xfer_wait(sb):
            pltpu.make_async_copy(
                rows_v.at[0], slab.at[sid, sb], xsem.at[sb]
            ).wait()

        def scatter_start(c, sb):
            pltpu.async_copy(
                slab.at[sid, sb],
                out_hbm.at[row, pl.ds(col + c * _CHUNK, _CHUNK)],
                ssem.at[sb],
            )

        def scatter_wait(sb):
            pltpu.make_async_copy(
                slab.at[sid, sb],
                out_hbm.at[row, pl.ds(col, _CHUNK)],
                ssem.at[sb],
            ).wait()

        for b in range(_PREF):
            gather_start(b, b)

        def step(c, carry):
            b = lax.rem(c, _NBUF)
            nb = lax.rem(c + _PREF, _NBUF)
            sb = lax.rem(c, _NSLAB)
            psb = lax.rem(c + _NSLAB - 1, _NSLAB)

            gather_wait(b)

            @pl.when(c >= 1)
            def _():
                xfer_wait(psb)
                scatter_start(c - 1, psb)

            @pl.when(c >= _NSLAB)
            def _():
                scatter_wait(sb)

            xfer_start(b, sb)

            @pl.when(c + _PREF < nch)
            def _():
                gather_start(c + _PREF, nb)

            return carry

        lax.fori_loop(0, nch, step, 0)

        last = (nch - 1) % _NSLAB
        xfer_wait(last)
        scatter_start(nch - 1, last)
        for k in range(_NSLAB):
            scatter_wait((nch - _NSLAB + k) % _NSLAB)

    return body(tokens, table)


def kernel(tokens, W_E):
    return _embed_gather(tokens, W_E)

# --- scband reference (transcript-rebuilt; emitter-appended) ---
"""Pipeline reference for scband-embed-40286793236517 (READ-ONLY COPY).

The authoritative reference and input builder live on the scoring server;
editing this copy changes nothing except your own understanding.
"""

import jax, jax.numpy as jnp
import numpy as np

D_VOCAB = 100000
D_MODEL = 1024
BATCH = 4
SEQ = 4096

def setup_inputs(seed: int = 0) -> dict:
    key = jax.random.key(seed)
    k_tok, k_w = jax.random.split(key)
    tokens = jax.random.randint(k_tok, (BATCH, SEQ), 0, D_VOCAB, dtype=jnp.int64 if jax.config.jax_enable_x64 else jnp.int32)
    W_E = jax.random.normal(k_w, (D_VOCAB, D_MODEL), dtype=jnp.float32) * 0.02
    return {"tokens": tokens, "W_E": W_E}

def reference(tokens, W_E):
    # Embed.forward: return self.W_E[tokens, :]
    return jnp.take(W_E, tokens, axis=0)

if __name__ == "__main__":
    import jax
    _d = setup_inputs()
    print(jax.jit(kernel)(*tuple(_d.values())))

</pallas_src>

<mosaic_0001>
#map = affine_map<(d0, d1) -> (0, 0)>
#map1 = affine_map<(d0, d1) -> (0, 0, 0)>
module attributes {stable_mosaic.version = 14 : i64} {
  func.func @body(%arg0: i32, %arg1: i32, %arg2: memref<4x4096xi32, #tpu.memory_space<hbm>>, %arg3: memref<100000x1024xf32, #tpu.memory_space<hbm>>, %arg4: memref<4x4096x1024xf32, #tpu.memory_space<hbm>>, %arg5: memref<512xi32, #tpu.memory_space<vmem>>, %arg6: memref<4x16x1024xf32, #tpu.memory_space<vmem>>, %arg7: memref<16x2x16x1024xf32, #tpu.memory_space<vmem_shared>>, %arg8: memref<4x!tpu.dma_semaphore, #tpu.memory_space<semaphore_mem>>, %arg9: memref<2x!tpu.dma_semaphore, #tpu.memory_space<semaphore_mem>>, %arg10: memref<2x!tpu.dma_semaphore, #tpu.memory_space<semaphore_mem>>) attributes {dimension_semantics = [#tpu.dimension_semantics<core_parallel>, #tpu.dimension_semantics<subcore_parallel>], iteration_bounds = array<i64: 2, 16>, scalar_prefetch = 0 : i64, scratch_operands = 6 : i64, tpu.core_type = #tpu.core_type<sc_vector_subcore>, window_params = [{transform_indices = #map}, {transform_indices = #map}, {transform_indices = #map1}]} {
    %mul3A = arith.constant 2 : i32
    %mul3A_0 = arith.muli %arg1, %mul3A : i32
    %add3A = arith.addi %mul3A_0, %arg0 : i32
    %jit3A = arith.constant 8 : i32
    %div3A = arith.divsi %add3A, %jit3A : i32
    %sign3A = arith.constant 0 : i32
    %sign3A_1 = arith.cmpi sgt, %add3A, %sign3A : i32
    %sign3A_2 = arith.extui %sign3A_1 : i1 to i32
    %sign3A_3 = arith.constant 0 : i32
    %sign3A_4 = arith.cmpi slt, %add3A, %sign3A_3 : i32
    %sign3A_5 = arith.extui %sign3A_4 : i1 to i32
    %sign3A_6 = arith.subi %sign3A_2, %sign3A_5 : i32
    %sign3A_7 = arith.constant 0 : i32
    %sign3A_8 = arith.cmpi sgt, %jit3A, %sign3A_7 : i32
    %sign3A_9 = arith.extui %sign3A_8 : i1 to i32
    %sign3A_10 = arith.constant 0 : i32
    %sign3A_11 = arith.cmpi slt, %jit3A, %sign3A_10 : i32
    %sign3A_12 = arith.extui %sign3A_11 : i1 to i32
    %sign3A_13 = arith.subi %sign3A_9, %sign3A_12 : i32
    %ne3A = arith.cmpi ne, %sign3A_6, %sign3A_13 : i32
    %rem3A = arith.remsi %add3A, %jit3A : i32
    %ne3A_14 = arith.constant 0 : i32
    %ne3A_15 = arith.cmpi ne, %rem3A, %ne3A_14 : i32
    %and3A = arith.andi %ne3A, %ne3A_15 : i1
    %sub3A = arith.constant 1 : i32
    %sub3A_16 = arith.subi %div3A, %sub3A : i32
    %select_n3A = arith.select %and3A, %sub3A_16, %div3A : i32
    %jit3A_17 = arith.constant 8 : i32
    %eq3A = arith.constant 0 : i32
    %eq3A_18 = arith.cmpi eq, %jit3A_17, %eq3A : i32
    %jit3A_19 = arith.constant 1 : i32
    %select_n3A_20 = arith.select %eq3A_18, %jit3A_19, %jit3A_17 : i32
    %rem3A_21 = arith.remsi %add3A, %select_n3A_20 : i32
    %ne3A_22 = arith.constant 0 : i32
    %ne3A_23 = arith.cmpi ne, %rem3A_21, %ne3A_22 : i32
    %lt3A = arith.constant 0 : i32
    %lt3A_24 = arith.cmpi slt, %rem3A_21, %lt3A : i32
    %lt3A_25 = arith.constant 0 : i32
    %lt3A_26 = arith.cmpi slt, %select_n3A_20, %lt3A_25 : i32
    %ne3A_27 = arith.xori %lt3A_24, %lt3A_26 : i1
    %and3A_28 = arith.andi %ne3A_27, %ne3A_23 : i1
    %add3A_29 = arith.addi %rem3A_21, %select_n3A_20 : i32
    %select_n3A_30 = arith.select %and3A_28, %add3A_29, %rem3A_21 : i32
    %mul3A_31 = arith.constant 512 : i32
    %mul3A_32 = arith.muli %select_n3A_30, %mul3A_31 : i32
    "tpu.region"() ({
      %run_scoped3A = tpu.sem_alloc : memref<!tpu.dma_semaphore, #tpu.memory_space<semaphore_mem>>
      %dma_start3A_118 = tpu.memref_slice %arg2[%select_n3A, %mul3A_32] : memref<4x4096xi32, #tpu.memory_space<hbm>> -> memref<1x512xi32, #tpu.memory_space<hbm>>
      %dma_start3A_119 = tpu.memref_squeeze %dma_start3A_118 : memref<1x512xi32, #tpu.memory_space<hbm>> -> memref<512xi32, #tpu.memory_space<hbm>>
      %dma_start3A_120 = tpu.memref_slice %arg2[%select_n3A, %mul3A_32] : memref<4x4096xi32, #tpu.memory_space<hbm>> -> memref<1x512xi32, #tpu.memory_space<hbm>>
      %dma_start3A_121 = tpu.memref_squeeze %dma_start3A_120 : memref<1x512xi32, #tpu.memory_space<hbm>> -> memref<512xi32, #tpu.memory_space<hbm>>
      tpu.enqueue_dma source(%dma_start3A_121 : memref<512xi32, #tpu.memory_space<hbm>>) target(%arg5 : memref<512xi32, #tpu.memory_space<vmem>>) target_semaphore(%run_scoped3A : memref<!tpu.dma_semaphore, #tpu.memory_space<semaphore_mem>>)
      %dma_wait3A_122 = tpu.memref_slice %arg2[%select_n3A, %mul3A_32] : memref<4x4096xi32, #tpu.memory_space<hbm>> -> memref<1x512xi32, #tpu.memory_space<hbm>>
      %dma_wait3A_123 = tpu.memref_squeeze %dma_wait3A_122 : memref<1x512xi32, #tpu.memory_space<hbm>> -> memref<512xi32, #tpu.memory_space<hbm>>
      %dma_wait3A_124 = tpu.memref_slice %arg2[%select_n3A, %mul3A_32] : memref<4x4096xi32, #tpu.memory_space<hbm>> -> memref<1x512xi32, #tpu.memory_space<hbm>>
      %dma_wait3A_125 = tpu.memref_squeeze %dma_wait3A_124 : memref<1x512xi32, #tpu.memory_space<hbm>> -> memref<512xi32, #tpu.memory_space<hbm>>
      tpu.wait_dma2 semaphore(%run_scoped3A : memref<!tpu.dma_semaphore, #tpu.memory_space<semaphore_mem>>) src(%dma_wait3A_125 : memref<512xi32, #tpu.memory_space<hbm>>) dst(%arg5 : memref<512xi32, #tpu.memory_space<vmem>>)
      tpu.yield
    }) : () -> ()
    %dma_start3A = arith.constant 0 : i32
    %dma_start3A_33 = arith.constant 0 : i32
    %dma_start3A_34 = arith.constant 0 : i32
    %dma_start3A_35 = arith.constant 0 : i32
    %dma_start3A_36 = tpu.memref_slice %arg6[%dma_start3A, %dma_start3A_34, %dma_start3A_35] : memref<4x16x1024xf32, #tpu.memory_space<vmem>> -> memref<1x16x1024xf32, #tpu.memory_space<vmem>>
    %dma_start3A_37 = tpu.memref_squeeze %dma_start3A_36 : memref<1x16x1024xf32, #tpu.memory_space<vmem>> -> memref<16x1024xf32, #tpu.memory_space<vmem>>
    %dma_start3A_38 = arith.constant 0 : i32
    %dma_start3A_39 = tpu.memref_slice %arg5[%dma_start3A_38] : memref<512xi32, #tpu.memory_space<vmem>> -> memref<16xi32, #tpu.memory_space<vmem>>
    %dma_start3A_40 = arith.constant 0 : i32
    %dma_start3A_41 = arith.constant 0 : i32
    %dma_start3A_42 = tpu.memref_slice %arg3[%dma_start3A_40, %dma_start3A_41] : memref<100000x1024xf32, #tpu.memory_space<hbm>> -> memref<100000x1024xf32, #tpu.memory_space<hbm>>
    %dma_start3A_43 = tpu.memref_slice %arg8[%dma_start3A_33] : memref<4x!tpu.dma_semaphore, #tpu.memory_space<semaphore_mem>> -> memref<1x!tpu.dma_semaphore, #tpu.memory_space<semaphore_mem>>
    %dma_start3A_44 = tpu.memref_squeeze %dma_start3A_43 : memref<1x!tpu.dma_semaphore, #tpu.memory_space<semaphore_mem>> -> memref<!tpu.dma_semaphore, #tpu.memory_space<semaphore_mem>>
    tpu.enqueue_indirect_dma source(%dma_start3A_42 : memref<100000x1024xf32, #tpu.memory_space<hbm>>) target(%dma_start3A_37 : memref<16x1024xf32, #tpu.memory_space<vmem>>) offsets(%dma_start3A_39 : memref<16xi32, #tpu.memory_space<vmem>>) semaphore(%dma_start3A_44 : memref<!tpu.dma_semaphore, #tpu.memory_space<semaphore_mem>>)
    %dma_start3A_45 = arith.constant 1 : i32
    %dma_start3A_46 = arith.constant 1 : i32
    %dma_start3A_47 = arith.constant 0 : i32
    %dma_start3A_48 = arith.constant 0 : i32
    %dma_start3A_49 = tpu.memref_slice %arg6[%dma_start3A_45, %dma_start3A_47, %dma_start3A_48] : memref<4x16x1024xf32, #tpu.memory_space<vmem>> -> memref<1x16x1024xf32, #tpu.memory_space<vmem>>
    %dma_start3A_50 = tpu.memref_squeeze %dma_start3A_49 : memref<1x16x1024xf32, #tpu.memory_space<vmem>> -> memref<16x1024xf32, #tpu.memory_space<vmem>>
    %dma_start3A_51 = arith.constant 16 : i32
    %dma_start3A_52 = tpu.memref_slice %arg5[%dma_start3A_51] : memref<512xi32, #tpu.memory_space<vmem>> -> memref<16xi32, #tpu.memory_space<vmem>>
    %dma_start3A_53 = arith.constant 0 : i32
    %dma_start3A_54 = arith.constant 0 : i32
    %dma_start3A_55 = tpu.memref_slice %arg3[%dma_start3A_53, %dma_start3A_54] : memref<100000x1024xf32, #tpu.memory_space<hbm>> -> memref<100000x1024xf32, #tpu.memory_space<hbm>>
    %dma_start3A_56 = tpu.memref_slice %arg8[%dma_start3A_46] : memref<4x!tpu.dma_semaphore, #tpu.memory_space<semaphore_mem>> -> memref<1x!tpu.dma_semaphore, #tpu.memory_space<semaphore_mem>>
    %dma_start3A_57 = tpu.memref_squeeze %dma_start3A_56 : memref<1x!tpu.dma_semaphore, #tpu.memory_space<semaphore_mem>> -> memref<!tpu.dma_semaphore, #tpu.memory_space<semaphore_mem>>
    tpu.enqueue_indirect_dma source(%dma_start3A_55 : memref<100000x1024xf32, #tpu.memory_space<hbm>>) target(%dma_start3A_50 : memref<16x1024xf32, #tpu.memory_space<vmem>>) offsets(%dma_start3A_52 : memref<16xi32, #tpu.memory_space<vmem>>) semaphore(%dma_start3A_57 : memref<!tpu.dma_semaphore, #tpu.memory_space<semaphore_mem>>)
    %scan3A = arith.constant 0 : i32
    %scan3A_58 = arith.constant 0 : i32
    %scan3A_59 = arith.constant 32 : i32
    %scan3A_60 = arith.addi %scan3A_58, %scan3A_59 : i32
    %scan3A_61 = arith.constant 1 : i32
    scf.for %scan3A_118 = %scan3A_58 to %scan3A_60 step %scan3A_61  : i32 {
      %rem3A_119 = arith.constant 4 : i32
      %rem3A_120 = arith.remsi %scan3A_118, %rem3A_119 : i32
      %add3A_121 = arith.constant 2 : i32
      %add3A_122 = arith.addi %scan3A_118, %add3A_121 : i32
      %rem3A_123 = arith.constant 4 : i32
      %rem3A_124 = arith.remsi %add3A_122, %rem3A_123 : i32
      %rem3A_125 = arith.constant 2 : i32
      %rem3A_126 = arith.remsi %scan3A_118, %rem3A_125 : i32
      %add3A_127 = arith.constant 2 : i32
      %add3A_128 = arith.addi %scan3A_118, %add3A_127 : i32
      %sub3A_129 = arith.constant 1 : i32
      %sub3A_130 = arith.subi %add3A_128, %sub3A_129 : i32
      %rem3A_131 = arith.constant 2 : i32
      %rem3A_132 = arith.remsi %sub3A_130, %rem3A_131 : i32
      %dma_wait3A_133 = arith.constant 0 : i32
      %dma_wait3A_134 = arith.constant 0 : i32
      %dma_wait3A_135 = tpu.memref_slice %arg6[%rem3A_120, %dma_wait3A_133, %dma_wait3A_134] : memref<4x16x1024xf32, #tpu.memory_space<vmem>> -> memref<1x16x1024xf32, #tpu.memory_space<vmem>>
      %dma_wait3A_136 = tpu.memref_squeeze %dma_wait3A_135 : memref<1x16x1024xf32, #tpu.memory_space<vmem>> -> memref<16x1024xf32, #tpu.memory_space<vmem>>
      %dma_wait3A_137 = arith.constant 0 : i32
      %dma_wait3A_138 = tpu.memref_slice %arg5[%dma_wait3A_137] : memref<512xi32, #tpu.memory_space<vmem>> -> memref<16xi32, #tpu.memory_space<vmem>>
      %dma_wait3A_139 = arith.constant 0 : i32
      %dma_wait3A_140 = arith.constant 0 : i32
      %dma_wait3A_141 = tpu.memref_slice %arg3[%dma_wait3A_139, %dma_wait3A_140] : memref<100000x1024xf32, #tpu.memory_space<hbm>> -> memref<100000x1024xf32, #tpu.memory_space<hbm>>
      %dma_wait3A_142 = tpu.memref_slice %arg8[%rem3A_120] : memref<4x!tpu.dma_semaphore, #tpu.memory_space<semaphore_mem>> -> memref<1x!tpu.dma_semaphore, #tpu.memory_space<semaphore_mem>>
      %dma_wait3A_143 = tpu.memref_squeeze %dma_wait3A_142 : memref<1x!tpu.dma_semaphore, #tpu.memory_space<semaphore_mem>> -> memref<!tpu.dma_semaphore, #tpu.memory_space<semaphore_mem>>
      tpu.wait_indirect_dma semaphore(%dma_wait3A_143 : memref<!tpu.dma_semaphore, #tpu.memory_space<semaphore_mem>>) src(%dma_wait3A_141 : memref<100000x1024xf32, #tpu.memory_space<hbm>>) dst(%dma_wait3A_136 : memref<16x1024xf32, #tpu.memory_space<vmem>>)
      %ge3A = arith.constant 1 : i32
      %ge3A_144 = arith.cmpi sge, %scan3A_118, %ge3A : i32
      %convert_element_type3A = arith.extui %ge3A_144 : i1 to i32
      %cond3A = arith.constant 0 : i32
      %cond3A_145 = arith.cmpi ne, %convert_element_type3A, %cond3A : i32
      scf.if %cond3A_145 {
        %dma_wait3A_176 = arith.constant 0 : i32
        %dma_wait3A_177 = arith.constant 0 : i32
        %dma_wait3A_178 = arith.constant 0 : i32
        %dma_wait3A_179 = tpu.memref_slice %arg6[%dma_wait3A_176, %dma_wait3A_177, %dma_wait3A_178] : memref<4x16x1024xf32, #tpu.memory_space<vmem>> -> memref<1x16x1024xf32, #tpu.memory_space<vmem>>
        %dma_wait3A_180 = tpu.memref_squeeze %dma_wait3A_179 : memref<1x16x1024xf32, #tpu.memory_space<vmem>> -> memref<16x1024xf32, #tpu.memory_space<vmem>>
        %dma_wait3A_181 = arith.constant 0 : i32
        %dma_wait3A_182 = arith.constant 0 : i32
        %dma_wait3A_183 = tpu.memref_slice %arg7[%arg1, %rem3A_132, %dma_wait3A_181, %dma_wait3A_182] : memref<16x2x16x1024xf32, #tpu.memory_space<vmem_shared>> -> memref<1x1x16x1024xf32, #tpu.memory_space<vmem_shared>>
        %dma_wait3A_184 = tpu.memref_squeeze %dma_wait3A_183 : memref<1x1x16x1024xf32, #tpu.memory_space<vmem_shared>> -> memref<16x1024xf32, #tpu.memory_space<vmem_shared>>
        %dma_wait3A_185 = tpu.memref_slice %arg9[%rem3A_132] : memref<2x!tpu.dma_semaphore, #tpu.memory_space<semaphore_mem>> -> memref<1x!tpu.dma_semaphore, #tpu.memory_space<semaphore_mem>>
        %dma_wait3A_186 = tpu.memref_squeeze %dma_wait3A_185 : memref<1x!tpu.dma_semaphore, #tpu.memory_space<semaphore_mem>> -> memref<!tpu.dma_semaphore, #tpu.memory_space<semaphore_mem>>
        %dma_wait3A_187 = arith.constant 0 : i32
        %dma_wait3A_188 = arith.constant 0 : i32
        %dma_wait3A_189 = tpu.memref_slice %arg7[%arg1, %rem3A_132, %dma_wait3A_187, %dma_wait3A_188] : memref<16x2x16x1024xf32, #tpu.memory_space<vmem_shared>> -> memref<1x1x16x1024xf32, #tpu.memory_space<vmem_shared>>
        %dma_wait3A_190 = tpu.memref_squeeze %dma_wait3A_189 : memref<1x1x16x1024xf32, #tpu.memory_space<vmem_shared>> -> memref<16x1024xf32, #tpu.memory_space<vmem_shared>>
        %dma_wait3A_191 = arith.constant 0 : i32
        %dma_wait3A_192 = arith.constant 0 : i32
        %dma_wait3A_193 = tpu.memref_slice %arg6[%dma_wait3A_176, %dma_wait3A_191, %dma_wait3A_192] : memref<4x16x1024xf32, #tpu.memory_space<vmem>> -> memref<1x16x1024xf32, #tpu.memory_space<vmem>>
        %dma_wait3A_194 = tpu.memref_squeeze %dma_wait3A_193 : memref<1x16x1024xf32, #tpu.memory_space<vmem>> -> memref<16x1024xf32, #tpu.memory_space<vmem>>
        tpu.wait_dma2 semaphore(%dma_wait3A_186 : memref<!tpu.dma_semaphore, #tpu.memory_space<semaphore_mem>>) src(%dma_wait3A_194 : memref<16x1024xf32, #tpu.memory_space<vmem>>) dst(%dma_wait3A_190 : memref<16x1024xf32, #tpu.memory_space<vmem_shared>>)
        %sub3A_195 = arith.constant 1 : i32
        %sub3A_196 = arith.subi %scan3A_118, %sub3A_195 : i32
        %mul3A_197 = arith.constant 16 : i32
        %mul3A_198 = arith.muli %sub3A_196, %mul3A_197 : i32
        %add3A_199 = arith.addi %mul3A_32, %mul3A_198 : i32
        %dma_start3A_200 = tpu.memref_slice %arg10[%rem3A_132] : memref<2x!tpu.dma_semaphore, #tpu.memory_space<semaphore_mem>> -> memref<1x!tpu.dma_semaphore, #tpu.memory_space<semaphore_mem>>
        %dma_start3A_201 = tpu.memref_squeeze %dma_start3A_200 : memref<1x!tpu.dma_semaphore, #tpu.memory_space<semaphore_mem>> -> memref<!tpu.dma_semaphore, #tpu.memory_space<semaphore_mem>>
        %dma_start3A_202 = arith.constant 0 : i32
        %dma_start3A_203 = tpu.memref_slice %arg4[%select_n3A, %add3A_199, %dma_start3A_202] : memref<4x4096x1024xf32, #tpu.memory_space<hbm>> -> memref<1x16x1024xf32, #tpu.memory_space<hbm>>
        %dma_start3A_204 = tpu.memref_squeeze %dma_start3A_203 : memref<1x16x1024xf32, #tpu.memory_space<hbm>> -> memref<16x1024xf32, #tpu.memory_space<hbm>>
        %dma_start3A_205 = arith.constant 0 : i32
        %dma_start3A_206 = arith.constant 0 : i32
        %dma_start3A_207 = tpu.memref_slice %arg7[%arg1, %rem3A_132, %dma_start3A_205, %dma_start3A_206] : memref<16x2x16x1024xf32, #tpu.memory_space<vmem_shared>> -> memref<1x1x16x1024xf32, #tpu.memory_space<vmem_shared>>
        %dma_start3A_208 = tpu.memref_squeeze %dma_start3A_207 : memref<1x1x16x1024xf32, #tpu.memory_space<vmem_shared>> -> memref<16x1024xf32, #tpu.memory_space<vmem_shared>>
        tpu.enqueue_dma source(%dma_start3A_208 : memref<16x1024xf32, #tpu.memory_space<vmem_shared>>) target(%dma_start3A_204 : memref<16x1024xf32, #tpu.memory_space<hbm>>) target_semaphore(%dma_start3A_201 : memref<!tpu.dma_semaphore, #tpu.memory_space<semaphore_mem>>)
      } else {
      }
      %ge3A_146 = arith.constant 2 : i32
      %ge3A_147 = arith.cmpi sge, %scan3A_118, %ge3A_146 : i32
      %convert_element_type3A_148 = arith.extui %ge3A_147 : i1 to i32
      %cond3A_149 = arith.constant 0 : i32
      %cond3A_150 = arith.cmpi ne, %convert_element_type3A_148, %cond3A_149 : i32
      scf.if %cond3A_150 {
        %dma_wait3A_176 = tpu.memref_slice %arg10[%rem3A_126] : memref<2x!tpu.dma_semaphore, #tpu.memory_space<semaphore_mem>> -> memref<1x!tpu.dma_semaphore, #tpu.memory_space<semaphore_mem>>
        %dma_wait3A_177 = tpu.memref_squeeze %dma_wait3A_176 : memref<1x!tpu.dma_semaphore, #tpu.memory_space<semaphore_mem>> -> memref<!tpu.dma_semaphore, #tpu.memory_space<semaphore_mem>>
        %dma_wait3A_178 = arith.constant 0 : i32
        %dma_wait3A_179 = tpu.memref_slice %arg4[%select_n3A, %mul3A_32, %dma_wait3A_178] : memref<4x4096x1024xf32, #tpu.memory_space<hbm>> -> memref<1x16x1024xf32, #tpu.memory_space<hbm>>
        %dma_wait3A_180 = tpu.memref_squeeze %dma_wait3A_179 : memref<1x16x1024xf32, #tpu.memory_space<hbm>> -> memref<16x1024xf32, #tpu.memory_space<hbm>>
        %dma_wait3A_181 = arith.constant 0 : i32
        %dma_wait3A_182 = arith.constant 0 : i32
        %dma_wait3A_183 = tpu.memref_slice %arg7[%arg1, %rem3A_126, %dma_wait3A_181, %dma_wait3A_182] : memref<16x2x16x1024xf32, #tpu.memory_space<vmem_shared>> -> memref<1x1x16x1024xf32, #tpu.memory_space<vmem_shared>>
        %dma_wait3A_184 = tpu.memref_squeeze %dma_wait3A_183 : memref<1x1x16x1024xf32, #tpu.memory_space<vmem_shared>> -> memref<16x1024xf32, #tpu.memory_space<vmem_shared>>
        tpu.wait_dma2 semaphore(%dma_wait3A_177 : memref<!tpu.dma_semaphore, #tpu.memory_space<semaphore_mem>>) src(%dma_wait3A_184 : memref<16x1024xf32, #tpu.memory_space<vmem_shared>>) dst(%dma_wait3A_180 : memref<16x1024xf32, #tpu.memory_space<hbm>>)
      } else {
      }
      %dma_start3A_151 = arith.constant 0 : i32
      %dma_start3A_152 = arith.constant 0 : i32
      %dma_start3A_153 = tpu.memref_slice %arg6[%rem3A_120, %dma_start3A_151, %dma_start3A_152] : memref<4x16x1024xf32, #tpu.memory_space<vmem>> -> memref<1x16x1024xf32, #tpu.memory_space<vmem>>
      %dma_start3A_154 = tpu.memref_squeeze %dma_start3A_153 : memref<1x16x1024xf32, #tpu.memory_space<vmem>> -> memref<16x1024xf32, #tpu.memory_space<vmem>>
      %dma_start3A_155 = arith.constant 0 : i32
      %dma_start3A_156 = arith.constant 0 : i32
      %dma_start3A_157 = tpu.memref_slice %arg7[%arg1, %rem3A_126, %dma_start3A_155, %dma_start3A_156] : memref<16x2x16x1024xf32, #tpu.memory_space<vmem_shared>> -> memref<1x1x16x1024xf32, #tpu.memory_space<vmem_shared>>
      %dma_start3A_158 = tpu.memref_squeeze %dma_start3A_157 : memref<1x1x16x1024xf32, #tpu.memory_space<vmem_shared>> -> memref<16x1024xf32, #tpu.memory_space<vmem_shared>>
      %dma_start3A_159 = tpu.memref_slice %arg9[%rem3A_126] : memref<2x!tpu.dma_semaphore, #tpu.memory_space<semaphore_mem>> -> memref<1x!tpu.dma_semaphore, #tpu.memory_space<semaphore_mem>>
      %dma_start3A_160 = tpu.memref_squeeze %dma_start3A_159 : memref<1x!tpu.dma_semaphore, #tpu.memory_space<semaphore_mem>> -> memref<!tpu.dma_semaphore, #tpu.memory_space<semaphore_mem>>
      %dma_start3A_161 = arith.constant 0 : i32
      %dma_start3A_162 = arith.constant 0 : i32
      %dma_start3A_163 = tpu.memref_slice %arg7[%arg1, %rem3A_126, %dma_start3A_161, %dma_start3A_162] : memref<16x2x16x1024xf32, #tpu.memory_space<vmem_shared>> -> memref<1x1x16x1024xf32, #tpu.memory_space<vmem_shared>>
      %dma_start3A_164 = tpu.memref_squeeze %dma_start3A_163 : memref<1x1x16x1024xf32, #tpu.memory_space<vmem_shared>> -> memref<16x1024xf32, #tpu.memory_space<vmem_shared>>
      %dma_start3A_165 = arith.constant 0 : i32
      %dma_start3A_166 = arith.constant 0 : i32
      %dma_start3A_167 = tpu.memref_slice %arg6[%rem3A_120, %dma_start3A_165, %dma_start3A_166] : memref<4x16x1024xf32, #tpu.memory_space<vmem>> -> memref<1x16x1024xf32, #tpu.memory_space<vmem>>
      %dma_start3A_168 = tpu.memref_squeeze %dma_start3A_167 : memref<1x16x1024xf32, #tpu.memory_space<vmem>> -> memref<16x1024xf32, #tpu.memory_space<vmem>>
      tpu.enqueue_dma source(%dma_start3A_168 : memref<16x1024xf32, #tpu.memory_space<vmem>>) target(%dma_start3A_164 : memref<16x1024xf32, #tpu.memory_space<vmem_shared>>) target_semaphore(%dma_start3A_160 : memref<!tpu.dma_semaphore, #tpu.memory_space<semaphore_mem>>)
      %add3A_169 = arith.constant 2 : i32
      %add3A_170 = arith.addi %scan3A_118, %add3A_169 : i32
      %lt3A_171 = arith.constant 32 : i32
      %lt3A_172 = arith.cmpi slt, %add3A_170, %lt3A_171 : i32
      %convert_element_type3A_173 = arith.extui %lt3A_172 : i1 to i32
      %cond3A_174 = arith.constant 0 : i32
      %cond3A_175 = arith.cmpi ne, %convert_element_type3A_173, %cond3A_174 : i32
      scf.if %cond3A_175 {
        %add3A_176 = arith.constant 2 : i32
        %add3A_177 = arith.addi %scan3A_118, %add3A_176 : i32
        %mul3A_178 = arith.constant 16 : i32
        %mul3A_179 = arith.muli %add3A_177, %mul3A_178 : i32
        %dma_start3A_180 = arith.constant 0 : i32
        %dma_start3A_181 = arith.constant 0 : i32
        %dma_start3A_182 = tpu.memref_slice %arg6[%rem3A_124, %dma_start3A_180, %dma_start3A_181] : memref<4x16x1024xf32, #tpu.memory_space<vmem>> -> memref<1x16x1024xf32, #tpu.memory_space<vmem>>
        %dma_start3A_183 = tpu.memref_squeeze %dma_start3A_182 : memref<1x16x1024xf32, #tpu.memory_space<vmem>> -> memref<16x1024xf32, #tpu.memory_space<vmem>>
        %dma_start3A_184 = tpu.memref_slice %arg5[%mul3A_179] : memref<512xi32, #tpu.memory_space<vmem>> -> memref<16xi32, #tpu.memory_space<vmem>>
        %dma_start3A_185 = arith.constant 0 : i32
        %dma_start3A_186 = arith.constant 0 : i32
        %dma_start3A_187 = tpu.memref_slice %arg3[%dma_start3A_185, %dma_start3A_186] : memref<100000x1024xf32, #tpu.memory_space<hbm>> -> memref<100000x1024xf32, #tpu.memory_space<hbm>>
        %dma_start3A_188 = tpu.memref_slice %arg8[%rem3A_124] : memref<4x!tpu.dma_semaphore, #tpu.memory_space<semaphore_mem>> -> memref<1x!tpu.dma_semaphore, #tpu.memory_space<semaphore_mem>>
        %dma_start3A_189 = tpu.memref_squeeze %dma_start3A_188 : memref<1x!tpu.dma_semaphore, #tpu.memory_space<semaphore_mem>> -> memref<!tpu.dma_semaphore, #tpu.memory_space<semaphore_mem>>
        tpu.enqueue_indirect_dma source(%dma_start3A_187 : memref<100000x1024xf32, #tpu.memory_space<hbm>>) target(%dma_start3A_183 : memref<16x1024xf32, #tpu.memory_space<vmem>>) offsets(%dma_start3A_184 : memref<16xi32, #tpu.memory_space<vmem>>) semaphore(%dma_start3A_189 : memref<!tpu.dma_semaphore, #tpu.memory_space<semaphore_mem>>)
      } else {
      }
    }
    %scan3A_62 = arith.constant 32 : i32
    %dma_wait3A = arith.constant 0 : i32
    %dma_wait3A_63 = arith.constant 1 : i32
    %dma_wait3A_64 = arith.constant 1 : i32
    %dma_wait3A_65 = arith.constant 0 : i32
    %dma_wait3A_66 = arith.constant 0 : i32
    %dma_wait3A_67 = tpu.memref_slice %arg6[%dma_wait3A, %dma_wait3A_65, %dma_wait3A_66] : memref<4x16x1024xf32, #tpu.memory_space<vmem>> -> memref<1x16x1024xf32, #tpu.memory_space<vmem>>
    %dma_wait3A_68 = tpu.memref_squeeze %dma_wait3A_67 : memref<1x16x1024xf32, #tpu.memory_space<vmem>> -> memref<16x1024xf32, #tpu.memory_space<vmem>>
    %dma_wait3A_69 = arith.constant 0 : i32
    %dma_wait3A_70 = arith.constant 0 : i32
    %dma_wait3A_71 = tpu.memref_slice %arg7[%arg1, %dma_wait3A_63, %dma_wait3A_69, %dma_wait3A_70] : memref<16x2x16x1024xf32, #tpu.memory_space<vmem_shared>> -> memref<1x1x16x1024xf32, #tpu.memory_space<vmem_shared>>
    %dma_wait3A_72 = tpu.memref_squeeze %dma_wait3A_71 : memref<1x1x16x1024xf32, #tpu.memory_space<vmem_shared>> -> memref<16x1024xf32, #tpu.memory_space<vmem_shared>>
    %dma_wait3A_73 = tpu.memref_slice %arg9[%dma_wait3A_64] : memref<2x!tpu.dma_semaphore, #tpu.memory_space<semaphore_mem>> -> memref<1x!tpu.dma_semaphore, #tpu.memory_space<semaphore_mem>>
    %dma_wait3A_74 = tpu.memref_squeeze %dma_wait3A_73 : memref<1x!tpu.dma_semaphore, #tpu.memory_space<semaphore_mem>> -> memref<!tpu.dma_semaphore, #tpu.memory_space<semaphore_mem>>
    %dma_wait3A_75 = arith.constant 0 : i32
    %dma_wait3A_76 = arith.constant 0 : i32
    %dma_wait3A_77 = tpu.memref_slice %arg7[%arg1, %dma_wait3A_63, %dma_wait3A_75, %dma_wait3A_76] : memref<16x2x16x1024xf32, #tpu.memory_space<vmem_shared>> -> memref<1x1x16x1024xf32, #tpu.memory_space<vmem_shared>>
    %dma_wait3A_78 = tpu.memref_squeeze %dma_wait3A_77 : memref<1x1x16x1024xf32, #tpu.memory_space<vmem_shared>> -> memref<16x1024xf32, #tpu.memory_space<vmem_shared>>
    %dma_wait3A_79 = arith.constant 0 : i32
    %dma_wait3A_80 = arith.constant 0 : i32
    %dma_wait3A_81 = tpu.memref_slice %arg6[%dma_wait3A, %dma_wait3A_79, %dma_wait3A_80] : memref<4x16x1024xf32, #tpu.memory_space<vmem>> -> memref<1x16x1024xf32, #tpu.memory_space<vmem>>
    %dma_wait3A_82 = tpu.memref_squeeze %dma_wait3A_81 : memref<1x16x1024xf32, #tpu.memory_space<vmem>> -> memref<16x1024xf32, #tpu.memory_space<vmem>>
    tpu.wait_dma2 semaphore(%dma_wait3A_74 : memref<!tpu.dma_semaphore, #tpu.memory_space<semaphore_mem>>) src(%dma_wait3A_82 : memref<16x1024xf32, #tpu.memory_space<vmem>>) dst(%dma_wait3A_78 : memref<16x1024xf32, #tpu.memory_space<vmem_shared>>)
    %add3A_83 = arith.constant 496 : i32
    %add3A_84 = arith.addi %mul3A_32, %add3A_83 : i32
    %dma_start3A_85 = arith.constant 1 : i32
    %dma_start3A_86 = arith.constant 1 : i32
    %dma_start3A_87 = tpu.memref_slice %arg10[%dma_start3A_86] : memref<2x!tpu.dma_semaphore, #tpu.memory_space<semaphore_mem>> -> memref<1x!tpu.dma_semaphore, #tpu.memory_space<semaphore_mem>>
    %dma_start3A_88 = tpu.memref_squeeze %dma_start3A_87 : memref<1x!tpu.dma_semaphore, #tpu.memory_space<semaphore_mem>> -> memref<!tpu.dma_semaphore, #tpu.memory_space<semaphore_mem>>
    %dma_start3A_89 = arith.constant 0 : i32
    %dma_start3A_90 = tpu.memref_slice %arg4[%select_n3A, %add3A_84, %dma_start3A_89] : memref<4x4096x1024xf32, #tpu.memory_space<hbm>> -> memref<1x16x1024xf32, #tpu.memory_space<hbm>>
    %dma_start3A_91 = tpu.memref_squeeze %dma_start3A_90 : memref<1x16x1024xf32, #tpu.memory_space<hbm>> -> memref<16x1024xf32, #tpu.memory_space<hbm>>
    %dma_start3A_92 = arith.constant 0 : i32
    %dma_start3A_93 = arith.constant 0 : i32
    %dma_start3A_94 = tpu.memref_slice %arg7[%arg1, %dma_start3A_85, %dma_start3A_92, %dma_start3A_93] : memref<16x2x16x1024xf32, #tpu.memory_space<vmem_shared>> -> memref<1x1x16x1024xf32, #tpu.memory_space<vmem_shared>>
    %dma_start3A_95 = tpu.memref_squeeze %dma_start3A_94 : memref<1x1x16x1024xf32, #tpu.memory_space<vmem_shared>> -> memref<16x1024xf32, #tpu.memory_space<vmem_shared>>
    tpu.enqueue_dma source(%dma_start3A_95 : memref<16x1024xf32, #tpu.memory_space<vmem_shared>>) target(%dma_start3A_91 : memref<16x1024xf32, #tpu.memory_space<hbm>>) target_semaphore(%dma_start3A_88 : memref<!tpu.dma_semaphore, #tpu.memory_space<semaphore_mem>>)
    %dma_wait3A_96 = arith.constant 0 : i32
    %dma_wait3A_97 = arith.constant 0 : i32
    %dma_wait3A_98 = tpu.memref_slice %arg10[%dma_wait3A_97] : memref<2x!tpu.dma_semaphore, #tpu.memory_space<semaphore_mem>> -> memref<1x!tpu.dma_semaphore, #tpu.memory_space<semaphore_mem>>
    %dma_wait3A_99 = tpu.memref_squeeze %dma_wait3A_98 : memref<1x!tpu.dma_semaphore, #tpu.memory_space<semaphore_mem>> -> memref<!tpu.dma_semaphore, #tpu.memory_space<semaphore_mem>>
    %dma_wait3A_100 = arith.constant 0 : i32
    %dma_wait3A_101 = tpu.memref_slice %arg4[%select_n3A, %mul3A_32, %dma_wait3A_100] : memref<4x4096x1024xf32, #tpu.memory_space<hbm>> -> memref<1x16x1024xf32, #tpu.memory_space<hbm>>
    %dma_wait3A_102 = tpu.memref_squeeze %dma_wait3A_101 : memref<1x16x1024xf32, #tpu.memory_space<hbm>> -> memref<16x1024xf32, #tpu.memory_space<hbm>>
    %dma_wait3A_103 = arith.constant 0 : i32
    %dma_wait3A_104 = arith.constant 0 : i32
    %dma_wait3A_105 = tpu.memref_slice %arg7[%arg1, %dma_wait3A_96, %dma_wait3A_103, %dma_wait3A_104] : memref<16x2x16x1024xf32, #tpu.memory_space<vmem_shared>> -> memref<1x1x16x1024xf32, #tpu.memory_space<vmem_shared>>
    %dma_wait3A_106 = tpu.memref_squeeze %dma_wait3A_105 : memref<1x1x16x1024xf32, #tpu.memory_space<vmem_shared>> -> memref<16x1024xf32, #tpu.memory_space<vmem_shared>>
    tpu.wait_dma2 semaphore(%dma_wait3A_99 : memref<!tpu.dma_semaphore, #tpu.memory_space<semaphore_mem>>) src(%dma_wait3A_106 : memref<16x1024xf32, #tpu.memory_space<vmem_shared>>) dst(%dma_wait3A_102 : memref<16x1024xf32, #tpu.memory_space<hbm>>)
    %dma_wait3A_107 = arith.constant 1 : i32
    %dma_wait3A_108 = arith.constant 1 : i32
    %dma_wait3A_109 = tpu.memref_slice %arg10[%dma_wait3A_108] : memref<2x!tpu.dma_semaphore, #tpu.memory_space<semaphore_mem>> -> memref<1x!tpu.dma_semaphore, #tpu.memory_space<semaphore_mem>>
    %dma_wait3A_110 = tpu.memref_squeeze %dma_wait3A_109 : memref<1x!tpu.dma_semaphore, #tpu.memory_space<semaphore_mem>> -> memref<!tpu.dma_semaphore, #tpu.memory_space<semaphore_mem>>
    %dma_wait3A_111 = arith.constant 0 : i32
    %dma_wait3A_112 = tpu.memref_slice %arg4[%select_n3A, %mul3A_32, %dma_wait3A_111] : memref<4x4096x1024xf32, #tpu.memory_space<hbm>> -> memref<1x16x1024xf32, #tpu.memory_space<hbm>>
    %dma_wait3A_113 = tpu.memref_squeeze %dma_wait3A_112 : memref<1x16x1024xf32, #tpu.memory_space<hbm>> -> memref<16x1024xf32, #tpu.memory_space<hbm>>
    %dma_wait3A_114 = arith.constant 0 : i32
    %dma_wait3A_115 = arith.constant 0 : i32
    %dma_wait3A_116 = tpu.memref_slice %arg7[%arg1, %dma_wait3A_107, %dma_wait3A_114, %dma_wait3A_115] : memref<16x2x16x1024xf32, #tpu.memory_space<vmem_shared>> -> memref<1x1x16x1024xf32, #tpu.memory_space<vmem_shared>>
    %dma_wait3A_117 = tpu.memref_squeeze %dma_wait3A_116 : memref<1x1x16x1024xf32, #tpu.memory_space<vmem_shared>> -> memref<16x1024xf32, #tpu.memory_space<vmem_shared>>
    tpu.wait_dma2 semaphore(%dma_wait3A_110 : memref<!tpu.dma_semaphore, #tpu.memory_space<semaphore_mem>>) src(%dma_wait3A_117 : memref<16x1024xf32, #tpu.memory_space<vmem_shared>>) dst(%dma_wait3A_113 : memref<16x1024xf32, #tpu.memory_space<hbm>>)
    return
  }
}

</mosaic_0001>

<sc_bundles>
// kernel: kernel.3.cloned.1.call-start
scs
__scs_entry_jumppad:
0x0: {  	(pc) =	sbr.rel $0x88, $3  }
0x1: {  	(tag) =	ssettag $0x0;
	lr =	simm.s32 $0x1  }
0x2: {  	[smem:$0x3F9F] =	sst lr;
	_ =	strace $0xD0000000  }
0x3: {  	_ = 	snop  }
0x4: {  	_ = 	snop  }
0x5: {  	_ = 	snop  }
0x6: {  	_ = 	snop  }
0x7: {  	_ = 	snop  }
__scs_overlays_trampoline_lowered:
0x8: {  	[smem:$0x3FAE] =	sst s0  }
0x9: {  	[smem:$0x3FAF] =	sst s1  }
0xa: {  	[smem:$0x3FB0] =	sst s2  }
0xb: {  	[smem:$0x3FB1] =	sst s3  }
0xc: {  	[smem:$0x3FB2] =	sst s4  }
0xd: {  	[smem:$0x3FB3] =	sst s5  }
0xe: {  	[smem:$0x3FB4] =	sst s6  }
0xf: {  	[smem:$0x3FB5] =	sst s7  }
0x10: {  	[smem:$0x3FB6] =	sst s8  }
0x11: {  	[smem:$0x3FB7] =	sst s9;
	s0 =	simm.s32 @!p0 $0x0  }
0x12: {  	s1 =	sld [smem:$0x3F9D];
	s0 =	simm.s32 @p0 $0x1  }
0x13: {  	[smem:$0x3FB8] =	sst s0;
	s0 =	simm.s32 @!p1 $0x0  }
0x14: {  	s2 =	sld [smem:$0x3F9C];
	s0 =	simm.s32 @p1 $0x1  }
0x15: {  	[smem:$0x3FB9] =	sst s0;
	s0 =	simm.s32 @!p2 $0x0  }
0x16: {  	s3 =	sld [smem:$0x3FDB];
	s0 =	simm.s32 @p2 $0x1  }
0x17: {  	s4 =	simm.s32 $0x1BF5;
	[smem:$0x3FBB] =	sst s0  }
0x18: {  	s0 =	sld [smem:$0x3F9E];
	_ =	swait.ge [sflag:s4], $0x0  }
0x19: {  	s7 =	sld [smem:$0x3F9F]  }
0x1a: {  	s8 =	sadd.s32 $0xFFFFE003, lr  }
0x1b: {  	s9 =	sadd.s32 $0xFFFFFEF7, lr;
	s5 =	simm.s32 $0xFFFFFFFF;
	p2 =	slt.u32 s8, $0xFFFFF086  }
0x1c: {  	p1 =	slt.u32 s9, $0xF7A;
	s5 =	simm.s32 @!p2 $0x0  }
0x1d: {  	s5 =	simm.s32 @p1 $0x1;
	p0 =	seq.s32 s7, s2  }
0x1e: {  	s7 =	smul.u32 @!p0 $0xF7A, s2;
	p2 =	seq.s32 @!p0 s5, $0x0  }
0x1f: {  	s9 =	smul.u32 $0xF7A, s1;
	s8 =	simm.s32 @!p0 $0x1BF5;
	p2 =	por !p2, p0  }
0x20: {  	[sflag:s8] =	ssyncset.s32 @!p0 $0xFFFFF086;
	s6 =	sadd.s32 @!p0 s3, s7;
	s7 =	simm.s32 @!p0 $0x108  }
0x21: {  	s3 =	sadd.s32 s3, s9;
	s6 =	sadd.s32 @!p0 $0x88, s6;
	s7 =	simm.s32 @p2 $0x1082  }
0x22: {  	[simem:s7], [sflag:s8] =	dma.local @!p0 [hbm:s6], $0xF7A  }
0x23: {  	s9 =	sor.u32 $0xD0000000, s2;
	s6 =	simm.s32 $0x108;
	_ =	swait.ge @!p0 [sflag:s8], $0x0  }
0x24: {  	s3 =	sadd.s32 $0x88, s3;
	s6 =	simm.s32 @!p1 $0x1082;
	[sflag:s4] =	ssyncset.s32 $0xFFFFF086  }
0x25: {  	[simem:s6], [sflag:s4] =	dma.local [hbm:s3], $0xF7A  }
0x26: {  	[smem:$0x3F9F] =	sst s1;
	(tag) =	ssettag s2;
	_ =	strace s9  }
0x27: {  	s1 =	sld [smem:$0x3FAF]  }
0x28: {  	s2 =	sld [smem:$0x3FB0]  }
0x29: {  	s4 =	sld [smem:$0x3FB2]  }
0x2a: {  	p0 =	seq.s32 s5, $0x0;
	s5 =	sld [smem:$0x3FB3]  }
0x2b: {  	s6 =	sld [smem:$0x3FB4]  }
0x2c: {  	s7 =	sld [smem:$0x3FB5]  }
0x2d: {  	s3 =	simm.s32 $0x108;
	s8 =	sld [smem:$0x3FB6]  }
0x2e: {  	s3 =	simm.s32 @!p0 $0x1082;
	s9 =	sld [smem:$0x3FB7]  }
0x2f: {  	lr =	sadd.s32 s0, s3;
	s0 =	sld [smem:$0x3FAE]  }
0x30: {  	s3 =	sld [smem:$0x3FB1]  }
0x31: {  	[smem:$0x3FBA] =	sst s10  }
0x32: {  	s10 =	sld [smem:$0x3FB8];
	_ =	sdelay $0x3  }
0x33: {  	p0 =	seq.s32 s10, $0x1;
	s10 =	sld [smem:$0x3FBA];
	_ =	sdelay $0x3  }
0x34: {  	[smem:$0x3FBA] =	sst s10  }
0x35: {  	s10 =	sld [smem:$0x3FB9];
	_ =	sdelay $0x3  }
0x36: {  	p1 =	seq.s32 s10, $0x1;
	s10 =	sld [smem:$0x3FBA];
	_ =	sdelay $0x3  }
0x37: {  	[smem:$0x3FBA] =	sst s10  }
0x38: {  	s10 =	sld [smem:$0x3FBB]  }
0x39: {  	_ = 	snop;
	(pc) =	sbr.ind lr, $3  }
0x3a: {  	_ = 	snop  }
0x3b: {  	_ = 	snop  }
0x3c: {  	p2 =	seq.s32 s10, $0x1;
	s10 =	sld [smem:$0x3FBA]  }
0x3d: {  	_ =	shalt  }
0x3e: {  	_ =	shalt  }
0x3f: {  	_ =	shalt  }
0x40: {  	_ =	shalt  }
0x41: {  	_ =	shalt  }
0x42: {  	_ =	shalt  }
0x43: {  	_ =	shalt  }
0x44: {  	_ =	shalt  }
0x45: {  	_ =	shalt  }
0x46: {  	_ =	shalt  }
0x47: {  	_ =	shalt  }
0x48: {  	_ =	shalt  }
0x49: {  	_ =	shalt  }
0x4a: {  	_ =	shalt  }
0x4b: {  	_ =	shalt  }
0x4c: {  	_ =	shalt  }
0x4d: {  	_ =	shalt  }
0x4e: {  	_ =	shalt  }
0x4f: {  	_ =	shalt  }
0x50: {  	_ =	shalt  }
0x51: {  	_ =	shalt  }
0x52: {  	_ =	shalt  }
0x53: {  	_ =	shalt  }
0x54: {  	_ =	shalt  }
0x55: {  	_ =	shalt  }
0x56: {  	_ =	shalt  }
0x57: {  	_ =	shalt  }
0x58: {  	_ =	shalt  }
0x59: {  	_ =	shalt  }
0x5a: {  	_ =	shalt  }
0x5b: {  	_ =	shalt  }
0x5c: {  	_ =	shalt  }
0x5d: {  	_ =	shalt  }
0x5e: {  	_ =	shalt  }
0x5f: {  	_ =	shalt  }
0x60: {  	_ =	shalt  }
0x61: {  	_ =	shalt  }
0x62: {  	_ =	shalt  }
0x63: {  	_ =	shalt  }
0x64: {  	_ =	shalt  }
0x65: {  	_ =	shalt  }
0x66: {  	_ =	shalt  }
0x67: {  	_ =	shalt  }
0x68: {  	_ =	shalt  }
0x69: {  	_ =	shalt  }
0x6a: {  	_ =	shalt  }
0x6b: {  	_ =	shalt  }
0x6c: {  	_ =	shalt  }
0x6d: {  	_ =	shalt  }
0x6e: {  	_ =	shalt  }
0x6f: {  	_ =	shalt  }
0x70: {  	_ =	shalt  }
0x71: {  	_ =	shalt  }
0x72: {  	_ =	shalt  }
0x73: {  	_ =	shalt  }
0x74: {  	_ =	shalt  }
0x75: {  	_ =	shalt  }
0x76: {  	_ =	shalt  }
0x77: {  	_ =	shalt  }
0x78: {  	_ =	shalt  }
0x79: {  	_ =	shalt  }
0x7a: {  	_ =	shalt  }
0x7b: {  	_ =	shalt  }
0x7c: {  	_ =	shalt  }
0x7d: {  	_ =	shalt  }
0x7e: {  	_ =	shalt  }
0x7f: {  	_ =	shalt  }
0x80: {  	_ =	shalt  }
0x81: {  	_ =	shalt  }
0x82: {  	_ =	shalt  }
0x83: {  	_ =	shalt  }
0x84: {  	_ =	shalt  }
0x85: {  	_ =	shalt  }
0x86: {  	_ =	shalt  }
0x87: {  	_ =	shalt  }
.Lfunc_end0:
.L_simem_size_0:
called_computation_lowered:
.L_overlay_start_0:
0x88: {  	s2 =	sld [smem:$0x3FD9]  }
0x89: {  	s3 =	sld [smem:$0x3FFE];
	_ =	sdelay $0x1  }
0x8a: {  	s1 =	srdreg.scid  }
0x8b: {  	s0 =	sand.u32 $0x1, s1  }
0x8c: {  	s18 =	sshll.u32 s0, $0xA;
	s2 =	sadd.s32 s3, s2  }
0x8d: {  	s2 =	sadd.s32 s2, s18  }
0x8e: {  	[smem:$0x3FC6] =	sst s2  }
0x8f: {  	_ = 	snop  }
0x90: {  	s2 =	sld [smem:$0x3FC9]  }
0x91: {  	s19 =	sld [smem:$0x3FC8]  }
0x92: {  	s4 =	sld [smem:$0x3FD0];
	(tm) =	ssettm $0x1  }
0x93: {  	s5 =	sld [smem:$0x3FFB];
	_ =	sdelay $0x3  }
0x94: {  	_ =	strace s5  }
0x95: {  	s5 =	sld [smem:$0x3FFC];
	_ =	sdelay $0x3  }
0x96: {  	_ =	strace s5  }
0x97: {  	s5 =	sld [smem:$0x3FFD];
	_ =	sdelay $0x3  }
0x98: {  	_ =	strace s5  }
0x99: {  	_ =	strace $0x8FFFFFFF  }
0x9a: {  	s20 =	sld [smem:$0x3FDB];
	_ =	sdelay $0x1  }
0x9b: {  	s6 =	simm.s32 $_scs_section_size  }
0x9c: {  	s7 =	simm.s32 $_size__tile_overlayer_lowered;
	s8 =	simm.s32 $_tile_overlayer_lowered  }
0x9d: {  	s23 =	simm.s32 $0x1BFF;
	s22 =	sshll.u32 s8, $0x1;
	s5 =	sadd.s32 s6, s20  }
0x9e: {  	s9 =	simm.s32 $0x0;
	s21 =	sshll.u32 s7, $0x1;
	s7 =	sadd.s32 s22, s5  }
0x9f: {  	[timem:s9], [sflag:s23] =	dma.local [hbm:s7], s21  }
0xa0: {  	_ =	swait.ge [sflag:s23], s21  }
0xa1: {  	s6 =	ssub.s32 $0x0, s21;
	[sflag:s23] =	ssyncset.done $0x0  }
0xa2: {  	[sflag:s23] =	ssyncadd.s32 s6;
	_ =	sdelay $0x1  }
0xa3: {  	s24 =	simm.s32 $0x1B8B  }
0xa4: {  	_ =	swait.ge [sflag:s24], $0x1  }
0xa5: {  	[sflag:s24] =	ssyncset.done $0x0  }
0xa6: {  	s25 =	simm.s32 $0x1B8E;
	[sflag:s24] =	ssyncadd.s32 $0xFFFFFFFF  }
0xa7: {  	s26 =	simm.s32 $execute0_lowered;
	[smem:$0x3FD2] =	sst s25  }
0xa8: {  	s6 =	sshll.u32 s26, $0x1;
	_ =	strace $0x80000046;
	[dreg:$0x1] =	wrdreg $0xFFFFFFFF  }
0xa9: {  	s28 =	simm.s32 $_size_execute0_lowered;
	s5 =	sadd.s32 s5, s6;
	[dreg:$0x0] =	wrdreg $0x0  }
0xaa: {  	s6 =	sshll.u32 s28, $0x1;
	[dreg:$0x2] =	wrdreg s5  }
0xab: {  	[dreg:$0x3] =	wrdreg s6  }
0xac: {  	[dreg:$0x4] =	wrdreg $0xC0  }
0xad: {  	_ =	task [dreg:s9], $0x5FFFF  }
0xae: {  	[dreg:$0x1] =	wrdreg $0xFFFFFFFF  }
0xaf: {  	[dreg:$0x0] =	wrdreg $0x60  }
0xb0: {  	[dreg:$0x2] =	wrdreg s2  }
0xb1: {  	[dreg:$0x3] =	wrdreg s19  }
0xb2: {  	[dreg:$0x4] =	wrdreg s4  }
0xb3: {  	[dreg:$0x5] =	wrdreg $0x102000  }
0xb4: {  	[dreg:$0x6] =	wrdreg $0x9  }
0xb5: {  	_ =	task.clear_ibuf [dreg:s9], $0x7FFFF;
	_ =	strace $0x90000046  }
0xb6: {  	s29 =	simm.s32 $0x9;
	_ =	strace $0x80000048  }
0xb7: {  	_ =	swait.ge [sflag:s29], $0x1  }
0xb8: {  	[sflag:s29] =	ssyncadd.s32 $0xFFFFFFFF  }
0xb9: {  	_ =	strace $0x90000048  }
0xba: {  	_ =	sfence  }
0xbb: {  	s30 =	sld [smem:$0x0];
	_ =	sdelay $0x2  }
0xbc: {  	s31 =	sshll.u32 s1, $0xD;
	s1 =	sshrl.u32 s1, $0x2  }
0xbd: {  	s3 =	sand.u32 $0x4000, s31;
	s1 =	sadd.s32 s1, s30  }
0xbe: {  	s0 =	sor.u32 s3, s0;
	s1 =	sshll.u32 s1, $0x11  }
0xbf: {  	s0 =	sor.u32 s1, s0  }
0xc0: {  	s0 =	sadd.s32 $0x8F2B, s0  }
0xc1: {  	[sflag:s0] =	ssyncadd.remote.s32 $0x1  }
0xc2: {  	_ =	sfence.sel $0xFFFF  }
0xc3: {  	[dreg:$0x0] =	wrdreg $0xFFFFFFFF;
	(pc) =	sbr.abs _section_cstart, $3  }
0xc4: {  	[dreg:$0x1] =	wrdreg $0xFFFFFFFF  }
0xc5: {  	_ =	task.clear_ibuf [dreg:s9], $0x2FFFF;
	_ =	strace $0x9FFFFFFF  }
0xc6: {  	(tm) =	ssettm $0x7FFFFFFF  }
0xc7: {  	_ =	shalt  }
tec
execute0_lowered:
.L_overlay_start_1:
0x0: {  	(tag) =	ssettag $0x1  }
0x1: {  	s0 =	rddreg [dreg:$0x0]  }
0x2: {  	s1 =	rddreg [dreg:$0x1]  }
0x3: {  	s2 =	rddreg [dreg:$0x2]  }
0x4: {  	s8 =	rddreg [dreg:$0x3]  }
0x5: {  	s3 =	simm.s32 $0x0;
	s4 =	srdreg.scid;
	s13 =	stileid.u32  }
0x6: {  	s28 =	simm.s32 $0x5;
	s21 =	simm.s32 $0x7;
	s22 =	simm.s32 $0x8  }
0x7: {  	s23 =	simm.s32 $0x0;
	[smem:$0x7FF] =	sst s3;
	s9 =	sand.u32 $0x1, s4  }
0x8: {  	s24 =	sshll.u32 s13, $0x1;
	s10 =	sshrl.u32 s13, $0x2;
	s26 =	sand.u32 $0x3, s13  }
0x9: {  	s13 =	sshll.u32 s13, $0xF;
	_ =	strace $0x80000047;
	s5 =	ssub.s32 $0x2, s9  }
0xa: {  	s4 =	sand.u32 $0x6, s24;
	s7 =	sshll.u32 s10, $0x4;
	s10 =	sshll.u32 s10, $0x16  }
0xb: {  	s8 =	sadd.s32 s13, s8;
	s6 =	sshrl.u32 s5, $0x1;
	s4 =	sor.u32 s9, s4  }
0xc: {  	s0 =	sadd.s32 s0, s7;
	s7 =	sadd.s32 $0x300, s1;
	s9 =	sshll.u32 s9, $0x13  }
0xd: {  	s12 =	ssub.s32 s5, s6;
	s25 =	sshll.u32 s4, $0x8;
	s11 =	sshll.u32 s4, $0x13  }
0xe: {  	s5 =	sadd.s32 $0x100, s1;
	s6 =	sadd.s32 $0x200, s1;
	s0 =	sadd.s32 s25, s0  }
0xf: {  	s11 =	sor.u32 s10, s11;
	[dreg:$0x5] =	wrdreg s0;
	s0 =	sshll.u32 s26, $0x14  }
0x10: {  	s31 =	smax.u32 s12, $0x1;
	s29 =	sshrl.u32 s11, $0x3;
	s0 =	sor.u32 s0, s10  }
0x11: {  	[dreg:$0x8] =	wrdreg s31;
	s26 =	simm.s32 $0x2;
	s0 =	sor.u32 s9, s0  }
0x12: {  	v2 =	vlaneseq.u32;
	s30 =	sadd.s32 s2, s29;
	s9 =	sadd.s32 $0x4000, s8;
	s0 =	sor.u32 $0x4000, s0  }
0x13: {  	vm0 =	vmmov $0xffff;
	v1 =	vshrl.u32 v2, $0x3;
	[dreg:$0x6] =	wrdreg s30;
	s4 =	sadd.s32 $0xF800, s30;
	s0 =	sshrl.u32 s0, $0x3  }
0x14: {  	v0 =	vand.u32 $0x7, v2;
	v2 =	vor.u32 $0x8, v2;
	v1 =	vmul.u32 $0x8, v1;
	[dreg:$0x7] =	wrdreg s4;
	s13 =	sadd.s32 s0, s2;
	s2 =	simm.s32 $0x6  }
.LBB2_1:
0x15: {  	s0 =	rddreg [dreg:$0x5]  }
0x16: {  	s4 =	simm.s32 $0x80;
	s10 =	simm.s32 $0x200;
	s12 =	simm.s32 $0x9  }
0x17: {  	[tilespmem:s3], [sflag:$0x9] =	stream.strided.gather [hbm4b:s0+s4], $0x200, s10, s4, $0x38;
	[tilespmem:$0x18200] =	vst v63  }
0x18: {  	_ =	swait.ge [sflag:s12], $0x200  }
0x19: {  	[sflag:s12] =	ssyncset.done $0x0  }
0x1a: {  	[sflag:s12] =	ssyncadd.s32 $0xFFFFFE00  }
0x1b: {  	v3 =	vld [tilespmem:$0x0];
	_ =	sdelay $0x4  }
0x1c: {  	v4 =	vshll.u32 v3, $0x3  }
0x1d: {  	v3 =	vand.u32 $0x7, v3;
	v4 =	vand.u32 $0xFFFFFFC0, v4  }
0x1e: {  	v3 =	vor.u32 v3, v4  }
0x1f: {  	v4 =	vperm.xlane v3, v0;
	_ =	sdelay $0x1  }
0x20: {  	v4 =	vadd.s32 v1, v4;
	_ =	sdelay $0x4  }
0x21: {  	[tilespmem:s10], [sflag:$0x1] =	stream.indirect_vreg.gather [hbm4b:s1+s3], $0x80, v4, vm0, $0xb8;
	[tilespmem:$0x18200] =	vst v63  }
0x22: {  	s14 =	simm.s32 $0xA00;
	v3 =	vperm.xlane v3, v2  }
0x23: {  	[tilespmem:s14], [sflag:$0x1] =	stream.indirect_vreg.gather [hbm4b:s5+s3], $0x80, v4, vm0, $0xb8;
	[tilespmem:$0x18200] =	vst v63  }
0x24: {  	s15 =	simm.s32 $0x1200;
	v3 =	vadd.s32 v1, v3  }
0x25: {  	[tilespmem:s15], [sflag:$0x1] =	stream.indirect_vreg.gather [hbm4b:s6+s3], $0x80, v4, vm0, $0xb8;
	[tilespmem:$0x18200] =	vst v63  }
0x26: {  	s16 =	simm.s32 $0x1A00  }
0x27: {  	[tilespmem:s16], [sflag:$0x1] =	stream.indirect_vreg.gather [hbm4b:s7+s3], $0x80, v4, vm0, $0xb8;
	[tilespmem:$0x18200] =	vst v63  }
0x28: {  	s17 =	simm.s32 $0x2200  }
0x29: {  	[tilespmem:s17], [sflag:$0x1] =	stream.indirect_vreg.gather [hbm4b:s1+s3], $0x80, v3, vm0, $0xb8;
	[tilespmem:$0x18200] =	vst v63  }
0x2a: {  	s18 =	simm.s32 $0x2A00  }
0x2b: {  	[tilespmem:s18], [sflag:$0x1] =	stream.indirect_vreg.gather [hbm4b:s5+s3], $0x80, v3, vm0, $0xb8;
	[tilespmem:$0x18200] =	vst v63  }
0x2c: {  	s19 =	simm.s32 $0x3200  }
0x2d: {  	[tilespmem:s19], [sflag:$0x1] =	stream.indirect_vreg.gather [hbm4b:s6+s3], $0x80, v3, vm0, $0xb8;
	[tilespmem:$0x18200] =	vst v63  }
0x2e: {  	s20 =	simm.s32 $0x3A00  }
0x2f: {  	[tilespmem:s20], [sflag:$0x1] =	stream.indirect_vreg.gather [hbm4b:s7+s3], $0x80, v3, vm0, $0xb8;
	[tilespmem:$0x18200] =	vst v63  }
0x30: {  	v3 =	vld [tilespmem:$0x10];
	_ =	sdelay $0x4  }
0x31: {  	v4 =	vshll.u32 v3, $0x3  }
0x32: {  	v3 =	vand.u32 $0x7, v3;
	v4 =	vand.u32 $0xFFFFFFC0, v4  }
0x33: {  	v3 =	vor.u32 v3, v4  }
0x34: {  	v4 =	vperm.xlane v3, v0;
	_ =	sdelay $0x1  }
0x35: {  	v4 =	vadd.s32 v1, v4;
	_ =	sdelay $0x3  }
0x36: {  	s11 =	simm.s32 $0x4200  }
0x37: {  	[tilespmem:s11], [sflag:$0x2] =	stream.indirect_vreg.gather [hbm4b:s1+s3], $0x80, v4, vm0, $0xb8;
	[tilespmem:$0x18200] =	vst v63  }
0x38: {  	s24 =	simm.s32 $0x4A00;
	v3 =	vperm.xlane v3, v2  }
0x39: {  	[tilespmem:s24], [sflag:$0x2] =	stream.indirect_vreg.gather [hbm4b:s5+s3], $0x80, v4, vm0, $0xb8;
	[tilespmem:$0x18200] =	vst v63  }
0x3a: {  	s25 =	simm.s32 $0x5200;
	v3 =	vadd.s32 v1, v3  }
0x3b: {  	[tilespmem:s25], [sflag:$0x2] =	stream.indirect_vreg.gather [hbm4b:s6+s3], $0x80, v4, vm0, $0xb8;
	[tilespmem:$0x18200] =	vst v63  }
0x3c: {  	s4 =	simm.s32 $0x5A00  }
0x3d: {  	[tilespmem:s4], [sflag:$0x2] =	stream.indirect_vreg.gather [hbm4b:s7+s3], $0x80, v4, vm0, $0xb8;
	[tilespmem:$0x18200] =	vst v63  }
0x3e: {  	s12 =	simm.s32 $0x6200  }
0x3f: {  	[tilespmem:s12], [sflag:$0x2] =	stream.indirect_vreg.gather [hbm4b:s1+s3], $0x80, v3, vm0, $0xb8;
	[tilespmem:$0x18200] =	vst v63  }
0x40: {  	s14 =	simm.s32 $0x6A00  }
0x41: {  	[tilespmem:s14], [sflag:$0x2] =	stream.indirect_vreg.gather [hbm4b:s5+s3], $0x80, v3, vm0, $0xb8;
	[tilespmem:$0x18200] =	vst v63  }
0x42: {  	s15 =	simm.s32 $0x7200  }
0x43: {  	[tilespmem:s15], [sflag:$0x2] =	stream.indirect_vreg.gather [hbm4b:s6+s3], $0x80, v3, vm0, $0xb8;
	[tilespmem:$0x18200] =	vst v63  }
0x44: {  	s16 =	simm.s32 $0x7A00;
	s17 =	simm.s32 $0x1  }
0x45: {  	[tilespmem:s16], [sflag:$0x2] =	stream.indirect_vreg.gather [hbm4b:s7+s3], $0x80, v3, vm0, $0xb8;
	[tilespmem:$0x18200] =	vst v63  }
0x46: {  	_ =	swait.ge [sflag:s17], $0x4000  }
0x47: {  	[sflag:s17] =	ssyncset.done $0x0  }
0x48: {  	[sflag:s17] =	ssyncadd.s32 $0xFFFFC000  }
0x49: {  	[spmem:s8] =	stream.linear.scatter [tilespmem:s10], [sflag:$0x5], $0x4000, $0x38;
	[tilespmem:$0x18200] =	vst v63  }
0x4a: {  	v3 =	vld [tilespmem:$0x20];
	_ =	sdelay $0x4  }
0x4b: {  	v4 =	vshll.u32 v3, $0x3  }
0x4c: {  	v3 =	vand.u32 $0x7, v3;
	v4 =	vand.u32 $0xFFFFFFC0, v4  }
0x4d: {  	v3 =	vor.u32 v3, v4  }
0x4e: {  	v4 =	vperm.xlane v3, v0;
	_ =	sdelay $0x1  }
0x4f: {  	v4 =	vadd.s32 v1, v4;
	_ =	sdelay $0x3  }
0x50: {  	s18 =	simm.s32 $0x8200  }
0x51: {  	[tilespmem:s18], [sflag:$0x3] =	stream.indirect_vreg.gather [hbm4b:s1+s3], $0x80, v4, vm0, $0xb8;
	[tilespmem:$0x18200] =	vst v63  }
0x52: {  	s19 =	simm.s32 $0x8A00;
	v3 =	vperm.xlane v3, v2  }
0x53: {  	[tilespmem:s19], [sflag:$0x3] =	stream.indirect_vreg.gather [hbm4b:s5+s3], $0x80, v4, vm0, $0xb8;
	[tilespmem:$0x18200] =	vst v63  }
0x54: {  	s20 =	simm.s32 $0x9200;
	v3 =	vadd.s32 v1, v3  }
0x55: {  	[tilespmem:s20], [sflag:$0x3] =	stream.indirect_vreg.gather [hbm4b:s6+s3], $0x80, v4, vm0, $0xb8;
	[tilespmem:$0x18200] =	vst v63  }
0x56: {  	s24 =	simm.s32 $0x9A00  }
0x57: {  	[tilespmem:s24], [sflag:$0x3] =	stream.indirect_vreg.gather [hbm4b:s7+s3], $0x80, v4, vm0, $0xb8;
	[tilespmem:$0x18200] =	vst v63  }
0x58: {  	s25 =	simm.s32 $0xA200  }
0x59: {  	[tilespmem:s25], [sflag:$0x3] =	stream.indirect_vreg.gather [hbm4b:s1+s3], $0x80, v3, vm0, $0xb8;
	[tilespmem:$0x18200] =	vst v63  }
0x5a: {  	s4 =	simm.s32 $0xAA00  }
0x5b: {  	[tilespmem:s4], [sflag:$0x3] =	stream.indirect_vreg.gather [hbm4b:s5+s3], $0x80, v3, vm0, $0xb8;
	[tilespmem:$0x18200] =	vst v63  }
0x5c: {  	s10 =	simm.s32 $0xB200  }
0x5d: {  	[tilespmem:s10], [sflag:$0x3] =	stream.indirect_vreg.gather [hbm4b:s6+s3], $0x80, v3, vm0, $0xb8;
	[tilespmem:$0x18200] =	vst v63  }
0x5e: {  	s12 =	simm.s32 $0xBA00  }
0x5f: {  	[tilespmem:s12], [sflag:$0x3] =	stream.indirect_vreg.gather [hbm4b:s7+s3], $0x80, v3, vm0, $0xb8;
	[tilespmem:$0x18200] =	vst v63  }
0x60: {  	_ =	swait.ge [sflag:s26], $0x4000  }
0x61: {  	[sflag:s26] =	ssyncset.done $0x0  }
0x62: {  	[sflag:s26] =	ssyncadd.s32 $0xFFFFC000  }
0x63: {  	s14 =	stileid.u32;
	_ =	swait.ge [sflag:s28], $0x4000  }
0x64: {  	s17 =	sshrl.u32 s8, $0x3;
	s25 =	sshll.u32 s14, $0x6;
	[sflag:s28] =	ssyncset.done $0x0  }
0x65: {  	s0 =	sor.u32 $0x1C07, s25;
	s15 =	rddreg [dreg:$0x6];
	[sflag:s28] =	ssyncadd.s32 $0xFFFFC000  }
0x66: {  	[hbm:s15], [sflag:s0] =	dma.local [spmem:s17], $0x800  }
0x67: {  	[spmem:s9] =	stream.linear.scatter [tilespmem:s11], [sflag:$0x6], $0x4000, $0x38;
	[tilespmem:$0x18200] =	vst v63  }
0x68: {  	v3 =	vld [tilespmem:$0x30];
	_ =	sdelay $0x4  }
0x69: {  	v4 =	vshll.u32 v3, $0x3  }
0x6a: {  	v3 =	vand.u32 $0x7, v3;
	v4 =	vand.u32 $0xFFFFFFC0, v4  }
0x6b: {  	v3 =	vor.u32 v3, v4  }
0x6c: {  	v4 =	vperm.xlane v3, v0;
	_ =	sdelay $0x1  }
0x6d: {  	v4 =	vadd.s32 v1, v4;
	_ =	sdelay $0x3  }
0x6e: {  	s16 =	simm.s32 $0xC200  }
0x6f: {  	[tilespmem:s16], [sflag:$0x4] =	stream.indirect_vreg.gather [hbm4b:s1+s3], $0x80, v4, vm0, $0xb8;
	[tilespmem:$0x18200] =	vst v63  }
0x70: {  	s17 =	simm.s32 $0xCA00;
	v3 =	vperm.xlane v3, v2  }
0x71: {  	[tilespmem:s17], [sflag:$0x4] =	stream.indirect_vreg.gather [hbm4b:s5+s3], $0x80, v4, vm0, $0xb8;
	[tilespmem:$0x18200] =	vst v63  }
0x72: {  	s18 =	simm.s32 $0xD200;
	v3 =	vadd.s32 v1, v3  }
0x73: {  	[tilespmem:s18], [sflag:$0x4] =	stream.indirect_vreg.gather [hbm4b:s6+s3], $0x80, v4, vm0, $0xb8;
	[tilespmem:$0x18200] =	vst v63  }
0x74: {  	s19 =	simm.s32 $0xDA00  }
0x75: {  	[tilespmem:s19], [sflag:$0x4] =	stream.indirect_vreg.gather [hbm4b:s7+s3], $0x80, v4, vm0, $0xb8;
	[tilespmem:$0x18200] =	vst v63  }
0x76: {  	s20 =	simm.s32 $0xE200  }
0x77: {  	[tilespmem:s20], [sflag:$0x4] =	stream.indirect_vreg.gather [hbm4b:s1+s3], $0x80, v3, vm0, $0xb8;
	[tilespmem:$0x18200] =	vst v63  }
0x78: {  	s24 =	simm.s32 $0xEA00;
	s11 =	simm.s32 $0x2  }
0x79: {  	[tilespmem:s24], [sflag:$0x4] =	stream.indirect_vreg.gather [hbm4b:s5+s3], $0x80, v3, vm0, $0xb8;
	[tilespmem:$0x18200] =	vst v63  }
0x7a: {  	s4 =	simm.s32 $0xF200;
	s12 =	sand.u32 $0x3, s11  }
0x7b: {  	[tilespmem:s4], [sflag:$0x4] =	stream.indirect_vreg.gather [hbm4b:s6+s3], $0x80, v3, vm0, $0xb8;
	[tilespmem:$0x18200] =	vst v63  }
0x7c: {  	s10 =	simm.s32 $0xFA00;
	s18 =	sadd.s32 $0x1, s12  }
0x7d: {  	[tilespmem:s10], [sflag:$0x4] =	stream.indirect_vreg.gather [hbm4b:s7+s3], $0x80, v3, vm0, $0xb8;
	[tilespmem:$0x18200] =	vst v63  }
0x7e: {  	s19 =	simm.s32 $0x3;
	_ =	swait.ge [sflag:s18], $0x4000  }
0x7f: {  	s0 =	sand.u32 $0x1, s11;
	s19 =	sand.u32 $0x1, s19;
	[sflag:s18] =	ssyncset.done $0x0  }
0x80: {  	s30 =	sadd.s32 $0x7, s0;
	s14 =	sadd.s32 $0x5, s19;
	[sflag:s18] =	ssyncadd.s32 $0xFFFFC000  }
0x81: {  	s17 =	sshll.u32 s12, $0xE;
	s29 =	sshll.u32 s19, $0xE;
	_ =	swait.ge [sflag:s14], $0x4000  }
0x82: {  	s19 =	sor.u32 s25, s19;
	s29 =	sadd.s32 s29, s8;
	[sflag:s14] =	ssyncset.done $0x0  }
0x83: {  	s15 =	sadd.s32 $0x1C07, s19;
	s16 =	sshrl.u32 s29, $0x3;
	[sflag:s14] =	ssyncadd.s32 $0xFFFFC000  }
0x84: {  	[hbm:s13], [sflag:s15] =	dma.local [spmem:s16], $0x800  }
0x85: {  	p0 =	por $0x0, $0x0;
	s17 =	sor.u32 $0x200, s17;
	_ =	swait.ge [sflag:s30], $0x800  }
0x86: {  	s20 =	simm.s32 $0x40;
	s24 =	sshll.u32 s0, $0xE;
	[sflag:s30] =	ssyncset.done $0x0  }
0x87: {  	s0 =	sadd.s32 $0x5, s0;
	s18 =	sadd.s32 s24, s8;
	[sflag:s30] =	ssyncadd.s32 $0xFFFFF800  }
0x88: {  	[spmem:s18] =	stream.linear.scatter [tilespmem:s17], [sflag:s0], $0x4000, $0x38;
	[tilespmem:$0x18200] =	vst v63  }
0x89: {  	v3 =	vld @!p0 [tilespmem:s20+$0x0];
	_ =	sdelay $0x4  }
0x8a: {  	v4 =	vshll.u32 @!p0 v3, $0x3  }
0x8b: {  	v5 =	vlaneseq.u32 @!p0;
	v3 =	vand.u32 @!p0 $0x7, v3;
	v4 =	vand.u32 @!p0 $0xFFFFFFC0, v4  }
0x8c: {  	v6 =	vand.u32 @!p0 $0x7, v5;
	v7 =	vshrl.u32 @!p0 v5, $0x3;
	v3 =	vor.u32 @!p0 v3, v4  }
0x8d: {  	v4 =	vperm.xlane @!p0 v3, v6;
	v6 =	vmul.u32 @!p0 $0x8, v7;
	_ =	sdelay $0x1  }
0x8e: {  	v4 =	vadd.s32 @!p0 v6, v4  }
0x8f: {  	s0 =	simm.s32 $0x4  }
0x90: {  	s0 =	sand.u32 @!p0 $0x3, s0  }
0x91: {  	s17 =	sshll.u32 @!p0 s0, $0xE  }
0x92: {  	vm1 =	vmmov @!p0 $0xffff;
	s20 =	simm.s32 @!p0 $0x0;
	s18 =	sadd.s32 @!p0 $0x1, s0;
	s19 =	sor.u32 @!p0 $0x200, s17  }
0x93: {  	v5 =	vor.u32 @!p0 $0x8, v5;
	[tilespmem:s19], [sflag:s18] =	stream.indirect_vreg.gather @!p0 [hbm4b:s1+s20], $0x80, v4, vm1, $0xb8;
	[tilespmem:$0x18200] =	vst v63  }
0x94: {  	s0 =	sor.u32 @!p0 $0xA00, s17;
	v3 =	vperm.xlane @!p0 v3, v5  }
0x95: {  	[tilespmem:s0], [sflag:s18] =	stream.indirect_vreg.gather @!p0 [hbm4b:s5+s20], $0x80, v4, vm1, $0xb8;
	[tilespmem:$0x18200] =	vst v63  }
0x96: {  	v3 =	vadd.s32 @!p0 v6, v3;
	s0 =	sor.u32 @!p0 $0x1200, s17  }
0x97: {  	[tilespmem:s0], [sflag:s18] =	stream.indirect_vreg.gather @!p0 [hbm4b:s6+s20], $0x80, v4, vm1, $0xb8;
	[tilespmem:$0x18200] =	vst v63  }
0x98: {  	s0 =	sor.u32 @!p0 $0x1A00, s17  }
0x99: {  	[tilespmem:s0], [sflag:s18] =	stream.indirect_vreg.gather @!p0 [hbm4b:s7+s20], $0x80, v4, vm1, $0xb8;
	[tilespmem:$0x18200] =	vst v63  }
0x9a: {  	s0 =	sor.u32 @!p0 $0x2200, s17  }
0x9b: {  	[tilespmem:s0], [sflag:s18] =	stream.indirect_vreg.gather @!p0 [hbm4b:s1+s20], $0x80, v3, vm1, $0xb8;
	[tilespmem:$0x18200] =	vst v63  }
0x9c: {  	s31 =	sadd.s32 $0x800, s13;
	s0 =	sor.u32 @!p0 $0x2A00, s17  }
0x9d: {  	[tilespmem:s0], [sflag:s18] =	stream.indirect_vreg.gather @!p0 [hbm4b:s5+s20], $0x80, v3, vm1, $0xb8;
	[tilespmem:$0x18200] =	vst v63  }
0x9e: {  	s29 =	simm.s32 $0x5;
	s30 =	simm.s32 $0x50;
	s0 =	sor.u32 @!p0 $0x3200, s17  }
0x9f: {  	[tilespmem:s0], [sflag:s18] =	stream.indirect_vreg.gather @!p0 [hbm4b:s6+s20], $0x80, v3, vm1, $0xb8;
	[tilespmem:$0x18200] =	vst v63  }
0xa0: {  	s19 =	sor.u32 @!p0 $0x3A00, s17;
	s17 =	simm.s32 $0x3;
	s0 =	simm.s32 $0x6  }
.LBB2_2:
0xa1: {  	s4 =	sand.u32 $0x3, s17  }
0xa2: {  	s11 =	sand.u32 $0x1, s17;
	s12 =	smov.u32 s0;
	s0 =	sadd.s32 $0x1, s0  }
0xa3: {  	s24 =	sadd.s32 $0x1, s4;
	s4 =	sshll.u32 s4, $0xE;
	s10 =	sshll.u32 s11, $0xE  }
0xa4: {  	[tilespmem:s19], [sflag:s18] =	stream.indirect_vreg.gather @!p0 [hbm4b:s7+s20], $0x80, v3, vm1, $0xb8;
	[tilespmem:$0x18200] =	vst v63  }
0xa5: {  	p1 =	sne.s32 s0, $0x22;
	s18 =	sadd.s32 $0xFFFFFFFF, s29;
	_ =	swait.ge [sflag:s24], $0x4000  }
0xa6: {  	s18 =	sand.u32 $0x1, s18;
	[sflag:s24] =	ssyncset.done $0x0  }
0xa7: {  	s19 =	sadd.s32 $0x5, s18;
	s20 =	sshll.u32 s18, $0xE;
	[sflag:s24] =	ssyncadd.s32 $0xFFFFC000  }
0xa8: {  	s18 =	sor.u32 s25, s18;
	s20 =	sadd.s32 s20, s8;
	_ =	swait.ge [sflag:s19], $0x4000  }
0xa9: {  	s24 =	sadd.s32 $0x7, s11;
	[sflag:s19] =	ssyncset.done $0x0  }
0xaa: {  	s18 =	sadd.s32 $0x1C07, s18;
	[sflag:s19] =	ssyncadd.s32 $0xFFFFC000;
	s19 =	sshrl.u32 s20, $0x3  }
0xab: {  	[hbm:s31], [sflag:s18] =	dma.local [spmem:s19], $0x800  }
0xac: {  	_ =	swait.ge [sflag:s24], $0x800  }
0xad: {  	p0 =	sgt.u32 s17, $0x1D;
	s11 =	sadd.s32 $0x5, s11;
	[sflag:s24] =	ssyncset.done $0x0  }
0xae: {  	s4 =	sor.u32 $0x200, s4;
	s10 =	sadd.s32 s10, s8;
	v3 =	vlaneseq.u32 @!p0;
	[sflag:s24] =	ssyncadd.s32 $0xFFFFF800  }
0xaf: {  	v4 =	vand.u32 @!p0 $0x7, v3;
	v5 =	vshrl.u32 @!p0 v3, $0x3;
	v3 =	vor.u32 @!p0 $0x8, v3;
	[spmem:s10] =	stream.linear.scatter [tilespmem:s4], [sflag:s11], $0x4000, $0x38;
	[tilespmem:$0x18200] =	vst v63  }
0xb0: {  	s4 =	sand.u32 @!p0 $0x3, s29;
	s29 =	smov.u32 s12;
	v6 =	vld @!p0 [tilespmem:s30+$0x0]  }
0xb1: {  	s10 =	sshll.u32 @!p0 s4, $0xE  }
0xb2: {  	s11 =	sor.u32 @!p0 $0x200, s10;
	s12 =	sor.u32 @!p0 $0xA00, s10;
	s17 =	sor.u32 @!p0 $0x1200, s10  }
0xb3: {  	s24 =	sor.u32 @!p0 $0x1A00, s10;
	s15 =	sor.u32 @!p0 $0x2200, s10;
	s16 =	sor.u32 @!p0 $0x2A00, s10  }
0xb4: {  	s14 =	sor.u32 @!p0 $0x3200, s10;
	s19 =	sor.u32 @!p0 $0x3A00, s10  }
0xb5: {  	v7 =	vand.u32 @!p0 $0x7, v6;
	v6 =	vshll.u32 @!p0 v6, $0x3  }
0xb6: {  	v6 =	vand.u32 @!p0 $0xFFFFFFC0, v6  }
0xb7: {  	v6 =	vor.u32 @!p0 v7, v6  }
0xb8: {  	v5 =	vmul.u32 @!p0 $0x8, v5;
	v4 =	vperm.xlane @!p0 v6, v4;
	v3 =	vperm.xlane @!p0 v6, v3;
	_ =	sdelay $0x1  }
0xb9: {  	v4 =	vadd.s32 @!p0 v5, v4;
	_ =	sdelay $0x3  }
0xba: {  	vm1 =	vmmov @!p0 $0xffff;
	s20 =	simm.s32 @!p0 $0x0;
	s18 =	sadd.s32 @!p0 $0x1, s4  }
0xbb: {  	[tilespmem:s11], [sflag:s18] =	stream.indirect_vreg.gather @!p0 [hbm4b:s1+s20], $0x80, v4, vm1, $0xb8;
	[tilespmem:$0x18200] =	vst v63  }
0xbc: {  	_ = 	snop  }
0xbd: {  	[tilespmem:s12], [sflag:s18] =	stream.indirect_vreg.gather @!p0 [hbm4b:s5+s20], $0x80, v4, vm1, $0xb8;
	[tilespmem:$0x18200] =	vst v63  }
0xbe: {  	v3 =	vadd.s32 @!p0 v5, v3  }
0xbf: {  	[tilespmem:s17], [sflag:s18] =	stream.indirect_vreg.gather @!p0 [hbm4b:s6+s20], $0x80, v4, vm1, $0xb8;
	[tilespmem:$0x18200] =	vst v63  }
0xc0: {  	_ = 	snop  }
0xc1: {  	[tilespmem:s24], [sflag:s18] =	stream.indirect_vreg.gather @!p0 [hbm4b:s7+s20], $0x80, v4, vm1, $0xb8;
	[tilespmem:$0x18200] =	vst v63  }
0xc2: {  	_ = 	snop  }
0xc3: {  	[tilespmem:s15], [sflag:s18] =	stream.indirect_vreg.gather @!p0 [hbm4b:s1+s20], $0x80, v3, vm1, $0xb8;
	[tilespmem:$0x18200] =	vst v63  }
.Ltmp0:
0xc4: {  	_ = 	snop;
	(pc) =	sbr.rel @p1 .LBB2_2-.Ltmp0, $4  }
0xc5: {  	_ = 	snop  }
0xc6: {  	[tilespmem:s16], [sflag:s18] =	stream.indirect_vreg.gather @!p0 [hbm4b:s5+s20], $0x80, v3, vm1, $0xb8;
	[tilespmem:$0x18200] =	vst v63  }
0xc7: {  	s31 =	sadd.s32 $0x800, s31;
	s30 =	sadd.s32 $0x10, s30;
	s17 =	sadd.s32 $0xFFFFFFFE, s29  }
0xc8: {  	[tilespmem:s14], [sflag:s18] =	stream.indirect_vreg.gather @!p0 [hbm4b:s6+s20], $0x80, v3, vm1, $0xb8;
	[tilespmem:$0x18200] =	vst v63  }
0xc9: {  	_ =	sdelay $0x2  }
0xca: {  	s0 =	sand.u32 $0x3, s17  }
0xcb: {  	[tilespmem:s19], [sflag:s18] =	stream.indirect_vreg.gather @!p0 [hbm4b:s7+s20], $0x80, v3, vm1, $0xb8;
	[tilespmem:$0x18200] =	vst v63  }
0xcc: {  	s4 =	sadd.s32 $0x1, s0  }
0xcd: {  	s10 =	sadd.s32 $0xFFFFFFFF, s29;
	_ =	swait.ge [sflag:s4], $0x4000  }
0xce: {  	s10 =	sand.u32 $0x1, s10;
	[sflag:s4] =	ssyncset.done $0x0  }
0xcf: {  	s11 =	sand.u32 $0x1, s17;
	s16 =	sadd.s32 $0x5, s10;
	[sflag:s4] =	ssyncadd.s32 $0xFFFFC000  }
0xd0: {  	s14 =	sadd.s32 $0x7, s11;
	s12 =	sshll.u32 s10, $0xE;
	_ =	swait.ge [sflag:s16], $0x4000  }
0xd1: {  	s10 =	sor.u32 s25, s10;
	s12 =	sadd.s32 s12, s8;
	[sflag:s16] =	ssyncset.done $0x0  }
0xd2: {  	s18 =	sadd.s32 $0x1C07, s10;
	s19 =	sshrl.u32 s12, $0x3;
	[sflag:s16] =	ssyncadd.s32 $0xFFFFC000  }
0xd3: {  	[hbm:s31], [sflag:s18] =	dma.local [spmem:s19], $0x800  }
0xd4: {  	p0 =	sgt.u32 s17, $0x1D;
	s0 =	sshll.u32 s0, $0xE;
	_ =	swait.ge [sflag:s14], $0x800  }
0xd5: {  	s20 =	sshll.u32 s11, $0xE;
	s24 =	sadd.s32 $0x5, s11;
	[sflag:s14] =	ssyncset.done $0x0  }
0xd6: {  	s0 =	sor.u32 $0x200, s0;
	s4 =	sadd.s32 s20, s8;
	[sflag:s14] =	ssyncadd.s32 $0xFFFFF800  }
0xd7: {  	[spmem:s4] =	stream.linear.scatter [tilespmem:s0], [sflag:s24], $0x4000, $0x38;
	[tilespmem:$0x18200] =	vst v63  }
0xd8: {  	v3 =	vld @!p0 [tilespmem:s30+$0x0];
	_ =	sdelay $0x4  }
0xd9: {  	v4 =	vshll.u32 @!p0 v3, $0x3  }
0xda: {  	v5 =	vlaneseq.u32 @!p0;
	v3 =	vand.u32 @!p0 $0x7, v3;
	v4 =	vand.u32 @!p0 $0xFFFFFFC0, v4  }
0xdb: {  	v6 =	vand.u32 @!p0 $0x7, v5;
	v7 =	vshrl.u32 @!p0 v5, $0x3;
	v3 =	vor.u32 @!p0 v3, v4  }
0xdc: {  	v4 =	vperm.xlane @!p0 v3, v6;
	v6 =	vmul.u32 @!p0 $0x8, v7;
	_ =	sdelay $0x1  }
0xdd: {  	v4 =	vadd.s32 @!p0 v6, v4;
	_ =	sdelay $0x1  }
0xde: {  	s0 =	sand.u32 @!p0 $0x3, s29  }
0xdf: {  	s4 =	sshll.u32 @!p0 s0, $0xE  }
0xe0: {  	vm1 =	vmmov @!p0 $0xffff;
	s11 =	simm.s32 @!p0 $0x0;
	s0 =	sadd.s32 @!p0 $0x1, s0;
	s10 =	sor.u32 @!p0 $0x200, s4  }
0xe1: {  	v5 =	vor.u32 @!p0 $0x8, v5;
	[tilespmem:s10], [sflag:s0] =	stream.indirect_vreg.gather @!p0 [hbm4b:s1+s11], $0x80, v4, vm1, $0xb8;
	[tilespmem:$0x18200] =	vst v63  }
0xe2: {  	v3 =	vperm.xlane @!p0 v3, v5;
	s10 =	sor.u32 @!p0 $0xA00, s4  }
0xe3: {  	[tilespmem:s10], [sflag:s0] =	stream.indirect_vreg.gather @!p0 [hbm4b:s5+s11], $0x80, v4, vm1, $0xb8;
	[tilespmem:$0x18200] =	vst v63  }
0xe4: {  	v3 =	vadd.s32 @!p0 v6, v3;
	s10 =	sor.u32 @!p0 $0x1200, s4  }
0xe5: {  	[tilespmem:s10], [sflag:s0] =	stream.indirect_vreg.gather @!p0 [hbm4b:s6+s11], $0x80, v4, vm1, $0xb8;
	[tilespmem:$0x18200] =	vst v63  }
0xe6: {  	s10 =	sor.u32 @!p0 $0x1A00, s4  }
0xe7: {  	[tilespmem:s10], [sflag:s0] =	stream.indirect_vreg.gather @!p0 [hbm4b:s7+s11], $0x80, v4, vm1, $0xb8;
	[tilespmem:$0x18200] =	vst v63  }
0xe8: {  	s10 =	sor.u32 @!p0 $0x2200, s4  }
0xe9: {  	[tilespmem:s10], [sflag:s0] =	stream.indirect_vreg.gather @!p0 [hbm4b:s1+s11], $0x80, v3, vm1, $0xb8;
	[tilespmem:$0x18200] =	vst v63  }
0xea: {  	s10 =	sor.u32 @!p0 $0x2A00, s4  }
0xeb: {  	[tilespmem:s10], [sflag:s0] =	stream.indirect_vreg.gather @!p0 [hbm4b:s5+s11], $0x80, v3, vm1, $0xb8;
	[tilespmem:$0x18200] =	vst v63  }
0xec: {  	s10 =	sor.u32 @!p0 $0x3200, s4  }
0xed: {  	[tilespmem:s10], [sflag:s0] =	stream.indirect_vreg.gather @!p0 [hbm4b:s6+s11], $0x80, v3, vm1, $0xb8;
	[tilespmem:$0x18200] =	vst v63  }
0xee: {  	s4 =	sor.u32 @!p0 $0x3A00, s4  }
0xef: {  	[tilespmem:s4], [sflag:s0] =	stream.indirect_vreg.gather @!p0 [hbm4b:s7+s11], $0x80, v3, vm1, $0xb8;
	[tilespmem:$0x18200] =	vst v63  }
0xf0: {  	_ =	swait.ge [sflag:s2], $0x4000  }
0xf1: {  	s25 =	sor.u32 $0x1C08, s25;
	[sflag:s2] =	ssyncset.done $0x0  }
0xf2: {  	s29 =	sshrl.u32 s9, $0x3;
	s30 =	rddreg [dreg:$0x7];
	[sflag:s2] =	ssyncadd.s32 $0xFFFFC000  }
0xf3: {  	[hbm:s30], [sflag:s25] =	dma.local [spmem:s29], $0x800  }
0xf4: {  	_ =	swait.ge [sflag:s21], $0x800  }
0xf5: {  	[sflag:s21] =	ssyncset.done $0x0  }
0xf6: {  	[sflag:s21] =	ssyncadd.s32 $0xFFFFF800  }
0xf7: {  	_ =	swait.ge [sflag:s22], $0x800  }
0xf8: {  	s23 =	sadd.s32 $0x1, s23;
	s31 =	rddreg [dreg:$0x8]  }
0xf9: {  	p0 =	sne.s32 s23, s31  }
.Ltmp1:
0xfa: {  	_ = 	snop;
	(pc) =	sbr.rel @p0 .LBB2_1-.Ltmp1, $3  }
0xfb: {  	_ =	sdelay $0x1  }
0xfc: {  	[sflag:s22] =	ssyncset.done $0x0  }
0xfd: {  	[sflag:s22] =	ssyncadd.s32 $0xFFFFF800  }
0xfe: {  	_ =	sfence.sel $0x180000  }
0xff: {  	[bflag:$0x0] =	sbarrier.arrive $0xFFFF  }
0x100: {  	_ =	strace $0x90000047  }
0x101: {  	s0 =	stileid.u32;
	[bflag:$0x2] =	sbarrier.arrive $0xFFFF  }
0x102: {  	p0 =	sne.s32 s0, $0x0;
	s0 =	rddreg [dreg:$0x4]  }
0x103: {  	s0 =	sadd.s32 @!p0 $0x100000, s0  }
0x104: {  	[sflag:s0] =	ssyncadd.tile.s32 @!p0 $0x1;
	_ =	shalt  }
.Lfunc_end2:
_tile_overlayer_lowered:
.L_overlay_start_2:
0x105: {  	(tag) =	ssettag $0x2  }
0x106: {  	s0 =	rddreg [dreg:$0x0];
	s2 =	stileid.u32  }
0x107: {  	s1 =	rddreg [dreg:$0x1];
	p0 =	sne.s32 s2, $0x0  }
0x108: {  	s3 =	rddreg [dreg:$0x2];
	[bflag:$0x3] =	sbarrier.arrive $0xFFFF;
	s2 =	simm.s32 @!p0 $0x1C09  }
0x109: {  	[timem:s3], [sflag:s2] =	dma.local @!p0 [hbm:s0], s1  }
0x10a: {  	s0 =	simm.s32 @!p0 $0x9  }
0x10b: {  	_ =	swait.ge @!p0 [sflag:s0], s1  }
0x10c: {  	s1 =	ssub.s32 @!p0 $0x0, s1;
	[sflag:s0] =	ssyncset.done @!p0 $0x0  }
0x10d: {  	[sflag:s0] =	ssyncadd.s32 @!p0 s1  }
0x10e: {  	[bflag:$0x3] =	sbarrier.arrive $0xFFFF  }
0x10f: {  	_ =	shalt  }

</sc_bundles>
